<compile_context>
chip_gen: v7x
topology: tpu7x:2x2x1
jax: 0.10.2.dev20260603
libtpu: 0.0.44.dev20260713+nightly
codegen_flags: <defaults>
</compile_context>

<pallas_src>
import functools

import jax
import jax.numpy as jnp
from jax import lax
from jax.experimental import pallas as pl
from jax.experimental.pallas import tpu as pltpu
from jax.experimental.pallas import tpu_sc as plsc

B = 16384
F_CAT = 26
F_NUM = 13
V = 100000
D = 8
H = 128

NC = 2
NS = 16
NW = NC * NS

VP = 100096
GV = 1024
NGF = 98
NFULL = F_CAT * NGF
T_PAIRS = (NFULL + 2 * NW - 1) // (2 * NW)

TOTAL = B * F_CAT
RPW = TOTAL // NW
CH = 128
NCH = RPW // CH


def _transpose_sc(emb_t, tail_lin):
    mesh = plsc.VectorSubcoreMesh(core_axis_name="c", subcore_axis_name="s")

    @functools.partial(
        pl.kernel,
        mesh=mesh,
        compiler_params=pltpu.CompilerParams(
            use_tc_tiling_on_sc=True, needs_layout_passes=False
        ),
        out_type=jax.ShapeDtypeStruct((F_CAT * VP * D,), jnp.float32),
        scratch_types=[
            pltpu.VMEM((D, GV), jnp.float32),
            pltpu.VMEM((D, GV), jnp.float32),
            pltpu.VMEM((D * GV,), jnp.float32),
            pltpu.VMEM((D * GV,), jnp.float32),
            pltpu.VMEM((D * 32,), jnp.float32),
            pltpu.SemaphoreType.DMA,
            pltpu.SemaphoreType.DMA,
            pltpu.SemaphoreType.DMA,
        ],
    )
    def k(tab_hbm, tail_hbm, out_hbm, in_a, in_b, ob_a, ob_b, ob_p, sI, sOa, sOb):
        wid = lax.axis_index("s") * NC + lax.axis_index("c")
        iota = lax.iota(jnp.int32, 16)
        r_idx = lax.rem(iota, D)
        v_pat = lax.div(iota, D)

        def group_of(t):
            gid = wid + NW * t
            live = jnp.logical_and(gid >= 0, gid < NFULL)
            gc = jnp.clip(gid, 0, NFULL - 1)
            f = lax.div(gc, NGF)
            g = lax.rem(gc, NGF)
            voff = jnp.where(g == NGF - 1, 98944, g * GV)
            return live, f, voff

        def issue_in(t, buf):
            live, f, voff = group_of(t)

            @pl.when(live)
            def _():
                pltpu.async_copy(tab_hbm.at[f, :, pl.ds(voff, GV)], buf, sI)

        def transpose_group(in_buf, out_buf):
            @plsc.parallel_loop(0, GV // 8, unroll=4)
            def body(c):
                for m in range(4):
                    q = c * 4 + m
                    c_idx = v_pat + 2 * q
                    vals = plsc.load_gather(in_buf, [r_idx, c_idx])
                    out_buf[pl.ds(16 * q, 16)] = vals

        def issue_out(t, buf, sem):
            live, f, voff = group_of(t)

            @pl.when(live)
            def _():
                pltpu.async_copy(
                    buf, out_hbm.at[pl.ds((f * VP + voff) * D, D * GV)], sem
                )

        def wait_in(t, buf):
            live, f, voff = group_of(t)

            @pl.when(live)
            def _():
                pltpu.make_async_copy(
                    tab_hbm.at[f, :, pl.ds(voff, GV)], buf, sI
                ).wait()

        def wait_out(t, buf, sem):
            live, f, voff = group_of(t)

            @pl.when(live)
            def _():
                pltpu.make_async_copy(
                    buf, out_hbm.at[pl.ds((f * VP + voff) * D, D * GV)], sem
                ).wait()

        def phase(t_cur, in_cur, in_nxt, ob_cur, sem):
            wait_in(t_cur, in_cur)
            issue_in(t_cur + 1, in_nxt)
            wait_out(t_cur - 2, ob_cur, sem)
            live, _, _ = group_of(t_cur)

            @pl.when(live)
            def _():
                transpose_group(in_cur, ob_cur)

            issue_out(t_cur, ob_cur, sem)

        issue_in(0, in_a)

        def pair(tt, carry):
            phase(2 * tt, in_a, in_b, ob_a, sOa)
            phase(2 * tt + 1, in_b, in_a, ob_b, sOb)
            return carry

        lax.fori_loop(0, T_PAIRS, pair, 0)
        wait_out(2 * T_PAIRS - 2, ob_a, sOa)
        wait_out(2 * T_PAIRS - 1, ob_b, sOb)

        @pl.when(wid < F_CAT)
        def _():
            f = wid
            pltpu.sync_copy(tail_hbm.at[pl.ds(f * (D * 32), D * 32)], ob_p)
            pltpu.sync_copy(ob_p, out_hbm.at[pl.ds((f * VP + 99968) * D, D * 32)])

    return k(emb_t, tail_lin)


def _gather_sc(table, idx):
    mesh = plsc.VectorSubcoreMesh(core_axis_name="c", subcore_axis_name="s")

    @functools.partial(
        pl.kernel,
        mesh=mesh,
        compiler_params=pltpu.CompilerParams(use_tc_tiling_on_sc=False),
        out_type=jax.ShapeDtypeStruct((NW, NCH, CH, D), jnp.float32),
        scratch_types=[
            pltpu.VMEM((NCH, CH), jnp.int32),
            pltpu.VMEM((NCH, CH, D), jnp.float32),
            pltpu.SemaphoreType.DMA,
        ],
    )
    def k(table_hbm, idx_hbm, out_hbm, idx_v, rows_v, sem):
        wid = lax.axis_index("s") * NC + lax.axis_index("c")
        pltpu.sync_copy(idx_hbm.at[wid], idx_v)

        def fire(j, carry):
            pltpu.async_copy(table_hbm.at[idx_v.at[j]], rows_v.at[j], sem)
            return carry

        lax.fori_loop(0, NCH, fire, 0)

        def drain(j, carry):
            pltpu.make_async_copy(
                table_hbm.at[idx_v.at[j]], rows_v.at[j], sem
            ).wait()
            return carry

        lax.fori_loop(0, NCH, drain, 0)
        pltpu.sync_copy(rows_v, out_hbm.at[wid])

    return k(table, idx)


def _mlp_body(x_ref, nv_ref, w1c_ref, w1n_ref, b1_ref, w2_ref, b2_ref, o_ref):
    h = jnp.dot(x_ref[...], w1c_ref[...], preferred_element_type=jnp.float32)
    h = h + jnp.dot(nv_ref[...], w1n_ref[...], preferred_element_type=jnp.float32)
    h = jnp.maximum(h + b1_ref[...], 0.0)
    o = jnp.sum(h * w2_ref[...], axis=1, keepdims=True) + b2_ref[0, 0]
    o_ref[...] = jax.nn.sigmoid(o)


def _mlp_tc(cat_flat, num_values, w1c, w1n, b1f, w2r, b2s):
    blk = 1024
    return pl.pallas_call(
        _mlp_body,
        grid=(B // blk,),
        in_specs=[
            pl.BlockSpec((blk, F_CAT * D), lambda i: (i, 0)),
            pl.BlockSpec((blk, F_NUM), lambda i: (i, 0)),
            pl.BlockSpec((F_CAT * D, H), lambda i: (0, 0)),
            pl.BlockSpec((F_NUM, H), lambda i: (0, 0)),
            pl.BlockSpec((1, H), lambda i: (0, 0)),
            pl.BlockSpec((1, H), lambda i: (0, 0)),
            pl.BlockSpec((1, 1), lambda i: (0, 0)),
        ],
        out_specs=pl.BlockSpec((blk, 1), lambda i: (i, 0)),
        out_shape=jax.ShapeDtypeStruct((B, 1), jnp.float32),
    )(cat_flat, num_values, w1c, w1n, b1f, w2r, b2s)


def kernel(cat_indices, num_values, emb_tables, num_W, num_b, W1, b1, W2, b2):
    emb_t = emb_tables.transpose(0, 2, 1)
    tail_lin = emb_tables[:, 99968:, :].reshape(-1)
    table1d = _transpose_sc(emb_t, tail_lin)
    table = table1d.reshape(F_CAT * VP, D)
    offs = (jnp.arange(F_CAT, dtype=jnp.int32) * VP)[None, :]
    idx = (cat_indices.astype(jnp.int32) + offs).reshape(NW, NCH, CH)
    rows = _gather_sc(table, idx)
    cat_flat = rows.reshape(B, F_CAT * D)

    w1c = W1[: F_CAT * D]
    w1r = W1[F_CAT * D :]
    w1n = jnp.einsum("fd,fdh->fh", num_W, w1r.reshape(F_NUM, D, H))
    b1f = (b1 + num_b.reshape(1, F_NUM * D) @ w1r).reshape(1, H)
    w2r = W2.reshape(1, H)
    b2s = b2.reshape(1, 1)
    return _mlp_tc(cat_flat, num_values, w1c, w1n, b1f, w2r, b2s)

# --- scband reference (transcript-rebuilt; emitter-appended) ---
"""Pipeline reference for scband-categorical-embedder-18021682774701 (READ-ONLY COPY).

The authoritative reference and input builder live on the scoring server;
editing this copy changes nothing except your own understanding.
"""

import jax, jax.numpy as jnp
import numpy as np

B = 16384
F_CAT = 26
F_NUM = 13
V = 100000
D = 8
H = 128


def setup_inputs(seed: int = 0) -> dict:
    key = jax.random.key(seed)
    ks = jax.random.split(key, 10)
    cat_indices = jax.random.randint(ks[0], (B, F_CAT), 0, V)
    num_values = jax.random.normal(ks[1], (B, F_NUM), dtype=jnp.float32)
    # learned params
    emb_tables = jax.random.normal(ks[2], (F_CAT, V, D), dtype=jnp.float32) * 0.02
    num_W = jax.random.normal(ks[3], (F_NUM, D), dtype=jnp.float32) * 0.1   # per-field Linear(1, D) weight
    num_b = jax.random.normal(ks[4], (F_NUM, D), dtype=jnp.float32) * 0.01  # per-field Linear(1, D) bias
    W1 = jax.random.normal(ks[5], (F_CAT * D + F_NUM * D, H), dtype=jnp.float32) * 0.05
    b1 = jnp.zeros((H,), dtype=jnp.float32)
    W2 = jax.random.normal(ks[6], (H, 1), dtype=jnp.float32) * 0.05
    b2 = jnp.zeros((1,), dtype=jnp.float32)
    return {
        "cat_indices": cat_indices,
        "num_values": num_values,
        "emb_tables": emb_tables,
        "num_W": num_W,
        "num_b": num_b,
        "W1": W1,
        "b1": b1,
        "W2": W2,
        "b2": b2,
    }


def reference(cat_indices, num_values, emb_tables, num_W, num_b, W1, b1, W2, b2):
    # categorical embedding lookups, one table per field, then concat along feature dim
    field_idx = jnp.arange(F_CAT)[None, :]              # [1, F_CAT]
    cat_emb = emb_tables[field_idx, cat_indices]        # [B, F_CAT, D] gather
    cat_flat = cat_emb.reshape(B, F_CAT * D)
    # numeric 'embeddings': per-field Linear(1, D) applied to scalar value
    num_emb = num_values[:, :, None] * num_W[None, :, :] + num_b[None, :, :]  # [B, F_NUM, D]
    num_flat = num_emb.reshape(B, F_NUM * D)
    combined = jnp.concatenate([cat_flat, num_flat], axis=1)  # [B, (F_CAT+F_NUM)*D]
    h = jax.nn.relu(combined @ W1 + b1)
    out = h @ W2 + b2
    return jax.nn.sigmoid(out)

if __name__ == "__main__":
    import jax
    _d = setup_inputs()
    print(jax.jit(kernel)(*tuple(_d.values())))

</pallas_src>

<mosaic_0001>
#map = affine_map<(d0, d1) -> (0, 0, 0)>
#map1 = affine_map<(d0, d1) -> (0)>
module attributes {stable_mosaic.version = 14 : i64} {
  func.func @k(%arg0: i32, %arg1: i32, %arg2: memref<26x8x100000xf32, #tpu.memory_space<hbm>>, %arg3: memref<6656xf32, #tpu.memory_space<hbm>>, %arg4: memref<20819968xf32, #tpu.memory_space<hbm>>, %arg5: memref<8x1024xf32, #tpu.memory_space<vmem>>, %arg6: memref<8x1024xf32, #tpu.memory_space<vmem>>, %arg7: memref<8192xf32, #tpu.memory_space<vmem>>, %arg8: memref<8192xf32, #tpu.memory_space<vmem>>, %arg9: memref<256xf32, #tpu.memory_space<vmem>>, %arg10: memref<!tpu.dma_semaphore, #tpu.memory_space<semaphore_mem>>, %arg11: memref<!tpu.dma_semaphore, #tpu.memory_space<semaphore_mem>>, %arg12: memref<!tpu.dma_semaphore, #tpu.memory_space<semaphore_mem>>) attributes {dimension_semantics = [#tpu.dimension_semantics<core_parallel>, #tpu.dimension_semantics<subcore_parallel>], iteration_bounds = array<i64: 2, 16>, scalar_prefetch = 0 : i64, scratch_operands = 8 : i64, tpu.core_type = #tpu.core_type<sc_vector_subcore>, window_params = [{transform_indices = #map}, {transform_indices = #map1}, {transform_indices = #map1}]} {
    %mul3A = arith.constant 2 : i32
    %mul3A_0 = arith.muli %arg1, %mul3A : i32
    %add3A = arith.addi %mul3A_0, %arg0 : i32
    %iota3A = tpu.iota {dimensions = array<i32: 0>} : vector<16xi32>
    %rem3A = arith.constant 8 : i32
    %rem3A_1 = vector.broadcast %rem3A : i32 to vector<16xi32>
    %rem3A_2 = arith.remsi %iota3A, %rem3A_1 : vector<16xi32>
    %div3A = arith.constant 8 : i32
    %div3A_3 = vector.broadcast %div3A : i32 to vector<16xi32>
    %div3A_4 = arith.divsi %iota3A, %div3A_3 : vector<16xi32>
    %add3A_5 = arith.constant 0 : i32
    %add3A_6 = arith.addi %add3A, %add3A_5 : i32
    %ge3A = arith.constant 0 : i32
    %ge3A_7 = arith.cmpi sge, %add3A_6, %ge3A : i32
    %lt3A = arith.constant 2548 : i32
    %lt3A_8 = arith.cmpi slt, %add3A_6, %lt3A : i32
    %and3A = arith.andi %ge3A_7, %lt3A_8 : i1
    %jit3A = arith.constant 0 : i32
    %jit3A_9 = arith.constant 2547 : i32
    %max3A = arith.maxsi %jit3A, %add3A_6 : i32
    %min3A = arith.minsi %jit3A_9, %max3A : i32
    %div3A_10 = arith.constant 98 : i32
    %div3A_11 = arith.divsi %min3A, %div3A_10 : i32
    %rem3A_12 = arith.constant 98 : i32
    %rem3A_13 = arith.remsi %min3A, %rem3A_12 : i32
    %eq3A = arith.constant 97 : i32
    %eq3A_14 = arith.cmpi eq, %rem3A_13, %eq3A : i32
    %mul3A_15 = arith.constant 1024 : i32
    %mul3A_16 = arith.muli %rem3A_13, %mul3A_15 : i32
    %jit3A_17 = arith.constant 98944 : i32
    %select_n3A = arith.select %eq3A_14, %jit3A_17, %mul3A_16 : i32
    %convert_element_type3A = arith.extui %and3A : i1 to i32
    %cond3A = arith.constant 0 : i32
    %cond3A_18 = arith.cmpi ne, %convert_element_type3A, %cond3A : i32
    scf.if %cond3A_18 {
      %dma_start3A = arith.constant 0 : i32
      %dma_start3A_77 = tpu.memref_slice %arg2[%div3A_11, %dma_start3A, %select_n3A] : memref<26x8x100000xf32, #tpu.memory_space<hbm>> -> memref<1x8x1024xf32, #tpu.memory_space<hbm>>
      %dma_start3A_78 = tpu.memref_squeeze %dma_start3A_77 : memref<1x8x1024xf32, #tpu.memory_space<hbm>> -> memref<8x1024xf32, #tpu.memory_space<hbm>>
      %dma_start3A_79 = arith.constant 0 : i32
      %dma_start3A_80 = tpu.memref_slice %arg2[%div3A_11, %dma_start3A_79, %select_n3A] : memref<26x8x100000xf32, #tpu.memory_space<hbm>> -> memref<1x8x1024xf32, #tpu.memory_space<hbm>>
      %dma_start3A_81 = tpu.memref_squeeze %dma_start3A_80 : memref<1x8x1024xf32, #tpu.memory_space<hbm>> -> memref<8x1024xf32, #tpu.memory_space<hbm>>
      tpu.enqueue_dma source(%dma_start3A_81 : memref<8x1024xf32, #tpu.memory_space<hbm>>) target(%arg5 : memref<8x1024xf32, #tpu.memory_space<vmem>>) target_semaphore(%arg10 : memref<!tpu.dma_semaphore, #tpu.memory_space<semaphore_mem>>)
    } else {
    }
    %scan3A = arith.constant 0 : i32
    %scan3A_19 = arith.constant 0 : i32
    %scan3A_20 = arith.constant 40 : i32
    %scan3A_21 = arith.addi %scan3A_19, %scan3A_20 : i32
    %scan3A_22 = arith.constant 1 : i32
    scf.for %scan3A_77 = %scan3A_19 to %scan3A_21 step %scan3A_22  : i32 {
      %mul3A_78 = arith.constant 2 : i32
      %mul3A_79 = arith.muli %mul3A_78, %scan3A_77 : i32
      %mul3A_80 = arith.constant 32 : i32
      %mul3A_81 = arith.muli %mul3A_80, %mul3A_79 : i32
      %add3A_82 = arith.addi %add3A, %mul3A_81 : i32
      %ge3A_83 = arith.constant 0 : i32
      %ge3A_84 = arith.cmpi sge, %add3A_82, %ge3A_83 : i32
      %lt3A_85 = arith.constant 2548 : i32
      %lt3A_86 = arith.cmpi slt, %add3A_82, %lt3A_85 : i32
      %and3A_87 = arith.andi %ge3A_84, %lt3A_86 : i1
      %jit3A_88 = arith.constant 0 : i32
      %jit3A_89 = arith.constant 2547 : i32
      %max3A_90 = arith.maxsi %jit3A_88, %add3A_82 : i32
      %min3A_91 = arith.minsi %jit3A_89, %max3A_90 : i32
      %div3A_92 = arith.constant 98 : i32
      %div3A_93 = arith.divsi %min3A_91, %div3A_92 : i32
      %rem3A_94 = arith.constant 98 : i32
      %rem3A_95 = arith.remsi %min3A_91, %rem3A_94 : i32
      %eq3A_96 = arith.constant 97 : i32
      %eq3A_97 = arith.cmpi eq, %rem3A_95, %eq3A_96 : i32
      %mul3A_98 = arith.constant 1024 : i32
      %mul3A_99 = arith.muli %rem3A_95, %mul3A_98 : i32
      %jit3A_100 = arith.constant 98944 : i32
      %select_n3A_101 = arith.select %eq3A_97, %jit3A_100, %mul3A_99 : i32
      %convert_element_type3A_102 = arith.extui %and3A_87 : i1 to i32
      %cond3A_103 = arith.constant 0 : i32
      %cond3A_104 = arith.cmpi ne, %convert_element_type3A_102, %cond3A_103 : i32
      scf.if %cond3A_104 {
        %dma_wait3A = arith.constant 0 : i32
        %dma_wait3A_341 = tpu.memref_slice %arg2[%div3A_93, %dma_wait3A, %select_n3A_101] : memref<26x8x100000xf32, #tpu.memory_space<hbm>> -> memref<1x8x1024xf32, #tpu.memory_space<hbm>>
        %dma_wait3A_342 = tpu.memref_squeeze %dma_wait3A_341 : memref<1x8x1024xf32, #tpu.memory_space<hbm>> -> memref<8x1024xf32, #tpu.memory_space<hbm>>
        %dma_wait3A_343 = arith.constant 0 : i32
        %dma_wait3A_344 = tpu.memref_slice %arg2[%div3A_93, %dma_wait3A_343, %select_n3A_101] : memref<26x8x100000xf32, #tpu.memory_space<hbm>> -> memref<1x8x1024xf32, #tpu.memory_space<hbm>>
        %dma_wait3A_345 = tpu.memref_squeeze %dma_wait3A_344 : memref<1x8x1024xf32, #tpu.memory_space<hbm>> -> memref<8x1024xf32, #tpu.memory_space<hbm>>
        tpu.wait_dma2 semaphore(%arg10 : memref<!tpu.dma_semaphore, #tpu.memory_space<semaphore_mem>>) src(%dma_wait3A_345 : memref<8x1024xf32, #tpu.memory_space<hbm>>) dst(%arg5 : memref<8x1024xf32, #tpu.memory_space<vmem>>)
      } else {
      }
      %add3A_105 = arith.constant 1 : i32
      %add3A_106 = arith.addi %mul3A_79, %add3A_105 : i32
      %mul3A_107 = arith.constant 32 : i32
      %mul3A_108 = arith.muli %mul3A_107, %add3A_106 : i32
      %add3A_109 = arith.addi %add3A, %mul3A_108 : i32
      %ge3A_110 = arith.constant 0 : i32
      %ge3A_111 = arith.cmpi sge, %add3A_109, %ge3A_110 : i32
      %lt3A_112 = arith.constant 2548 : i32
      %lt3A_113 = arith.cmpi slt, %add3A_109, %lt3A_112 : i32
      %and3A_114 = arith.andi %ge3A_111, %lt3A_113 : i1
      %jit3A_115 = arith.constant 0 : i32
      %jit3A_116 = arith.constant 2547 : i32
      %max3A_117 = arith.maxsi %jit3A_115, %add3A_109 : i32
      %min3A_118 = arith.minsi %jit3A_116, %max3A_117 : i32
      %div3A_119 = arith.constant 98 : i32
      %div3A_120 = arith.divsi %min3A_118, %div3A_119 : i32
      %rem3A_121 = arith.constant 98 : i32
      %rem3A_122 = arith.remsi %min3A_118, %rem3A_121 : i32
      %eq3A_123 = arith.constant 97 : i32
      %eq3A_124 = arith.cmpi eq, %rem3A_122, %eq3A_123 : i32
      %mul3A_125 = arith.constant 1024 : i32
      %mul3A_126 = arith.muli %rem3A_122, %mul3A_125 : i32
      %jit3A_127 = arith.constant 98944 : i32
      %select_n3A_128 = arith.select %eq3A_124, %jit3A_127, %mul3A_126 : i32
      %convert_element_type3A_129 = arith.extui %and3A_114 : i1 to i32
      %cond3A_130 = arith.constant 0 : i32
      %cond3A_131 = arith.cmpi ne, %convert_element_type3A_129, %cond3A_130 : i32
      scf.if %cond3A_131 {
        %dma_start3A = arith.constant 0 : i32
        %dma_start3A_341 = tpu.memref_slice %arg2[%div3A_120, %dma_start3A, %select_n3A_128] : memref<26x8x100000xf32, #tpu.memory_space<hbm>> -> memref<1x8x1024xf32, #tpu.memory_space<hbm>>
        %dma_start3A_342 = tpu.memref_squeeze %dma_start3A_341 : memref<1x8x1024xf32, #tpu.memory_space<hbm>> -> memref<8x1024xf32, #tpu.memory_space<hbm>>
        %dma_start3A_343 = arith.constant 0 : i32
        %dma_start3A_344 = tpu.memref_slice %arg2[%div3A_120, %dma_start3A_343, %select_n3A_128] : memref<26x8x100000xf32, #tpu.memory_space<hbm>> -> memref<1x8x1024xf32, #tpu.memory_space<hbm>>
        %dma_start3A_345 = tpu.memref_squeeze %dma_start3A_344 : memref<1x8x1024xf32, #tpu.memory_space<hbm>> -> memref<8x1024xf32, #tpu.memory_space<hbm>>
        tpu.enqueue_dma source(%dma_start3A_345 : memref<8x1024xf32, #tpu.memory_space<hbm>>) target(%arg6 : memref<8x1024xf32, #tpu.memory_space<vmem>>) target_semaphore(%arg10 : memref<!tpu.dma_semaphore, #tpu.memory_space<semaphore_mem>>)
      } else {
      }
      %sub3A = arith.constant 2 : i32
      %sub3A_132 = arith.subi %mul3A_79, %sub3A : i32
      %mul3A_133 = arith.constant 32 : i32
      %mul3A_134 = arith.muli %mul3A_133, %sub3A_132 : i32
      %add3A_135 = arith.addi %add3A, %mul3A_134 : i32
      %ge3A_136 = arith.constant 0 : i32
      %ge3A_137 = arith.cmpi sge, %add3A_135, %ge3A_136 : i32
      %lt3A_138 = arith.constant 2548 : i32
      %lt3A_139 = arith.cmpi slt, %add3A_135, %lt3A_138 : i32
      %and3A_140 = arith.andi %ge3A_137, %lt3A_139 : i1
      %jit3A_141 = arith.constant 0 : i32
      %jit3A_142 = arith.constant 2547 : i32
      %max3A_143 = arith.maxsi %jit3A_141, %add3A_135 : i32
      %min3A_144 = arith.minsi %jit3A_142, %max3A_143 : i32
      %div3A_145 = arith.constant 98 : i32
      %div3A_146 = arith.divsi %min3A_144, %div3A_145 : i32
      %rem3A_147 = arith.constant 98 : i32
      %rem3A_148 = arith.remsi %min3A_144, %rem3A_147 : i32
      %eq3A_149 = arith.constant 97 : i32
      %eq3A_150 = arith.cmpi eq, %rem3A_148, %eq3A_149 : i32
      %mul3A_151 = arith.constant 1024 : i32
      %mul3A_152 = arith.muli %rem3A_148, %mul3A_151 : i32
      %jit3A_153 = arith.constant 98944 : i32
      %select_n3A_154 = arith.select %eq3A_150, %jit3A_153, %mul3A_152 : i32
      %convert_element_type3A_155 = arith.extui %and3A_140 : i1 to i32
      %cond3A_156 = arith.constant 0 : i32
      %cond3A_157 = arith.cmpi ne, %convert_element_type3A_155, %cond3A_156 : i32
      scf.if %cond3A_157 {
        %mul3A_341 = arith.constant 100096 : i32
        %mul3A_342 = arith.muli %div3A_146, %mul3A_341 : i32
        %add3A_343 = arith.addi %mul3A_342, %select_n3A_154 : i32
        %mul3A_344 = arith.constant 8 : i32
        %mul3A_345 = arith.muli %add3A_343, %mul3A_344 : i32
        %dma_wait3A = tpu.memref_slice %arg4[%mul3A_345] : memref<20819968xf32, #tpu.memory_space<hbm>> -> memref<8192xf32, #tpu.memory_space<hbm>>
        %dma_wait3A_346 = tpu.memref_slice %arg4[%mul3A_345] : memref<20819968xf32, #tpu.memory_space<hbm>> -> memref<8192xf32, #tpu.memory_space<hbm>>
        tpu.wait_dma2 semaphore(%arg11 : memref<!tpu.dma_semaphore, #tpu.memory_space<semaphore_mem>>) src(%arg7 : memref<8192xf32, #tpu.memory_space<vmem>>) dst(%dma_wait3A_346 : memref<8192xf32, #tpu.memory_space<hbm>>)
      } else {
      }
      %mul3A_158 = arith.constant 32 : i32
      %mul3A_159 = arith.muli %mul3A_158, %mul3A_79 : i32
      %add3A_160 = arith.addi %add3A, %mul3A_159 : i32
      %ge3A_161 = arith.constant 0 : i32
      %ge3A_162 = arith.cmpi sge, %add3A_160, %ge3A_161 : i32
      %lt3A_163 = arith.constant 2548 : i32
      %lt3A_164 = arith.cmpi slt, %add3A_160, %lt3A_163 : i32
      %and3A_165 = arith.andi %ge3A_162, %lt3A_164 : i1
      %jit3A_166 = arith.constant 0 : i32
      %jit3A_167 = arith.constant 2547 : i32
      %max3A_168 = arith.maxsi %jit3A_166, %add3A_160 : i32
      %min3A_169 = arith.minsi %jit3A_167, %max3A_168 : i32
      %div3A_170 = arith.constant 98 : i32
      %div3A_171 = arith.divsi %min3A_169, %div3A_170 : i32
      %rem3A_172 = arith.constant 98 : i32
      %rem3A_173 = arith.remsi %min3A_169, %rem3A_172 : i32
      %eq3A_174 = arith.constant 97 : i32
      %eq3A_175 = arith.cmpi eq, %rem3A_173, %eq3A_174 : i32
      %mul3A_176 = arith.constant 1024 : i32
      %mul3A_177 = arith.muli %rem3A_173, %mul3A_176 : i32
      %jit3A_178 = arith.constant 98944 : i32
      %select_n3A_179 = arith.select %eq3A_175, %jit3A_178, %mul3A_177 : i32
      %convert_element_type3A_180 = arith.extui %and3A_165 : i1 to i32
      %cond3A_181 = arith.constant 0 : i32
      %cond3A_182 = arith.cmpi ne, %convert_element_type3A_180, %cond3A_181 : i32
      scf.if %cond3A_182 {
        %parallel_loop3A = arith.constant 0 : i32
        %parallel_loop3A_341 = arith.constant 128 : i32
        %parallel_loop3A_342 = arith.constant 1 : i32
        scf.for %parallel_loop3A_343 = %parallel_loop3A to %parallel_loop3A_341 step %parallel_loop3A_342  : i32 {
          %parallel_loop3A_344 = arith.constant 4 : i32
          %parallel_loop3A_345 = arith.muli %parallel_loop3A_343, %parallel_loop3A_344 : i32
          %parallel_loop3A_346 = arith.constant 0 : i32
          %parallel_loop3A_347 = arith.addi %parallel_loop3A_345, %parallel_loop3A_346 : i32
          %parallel_loop3A_348 = arith.constant 2 : i32
          %parallel_loop3A_349 = arith.muli %parallel_loop3A_348, %parallel_loop3A_347 : i32
          %parallel_loop3A_350 = vector.broadcast %parallel_loop3A_349 : i32 to vector<16xi32>
          %parallel_loop3A_351 = arith.addi %div3A_4, %parallel_loop3A_350 : vector<16xi32>
          %parallel_loop3A_352 = tpu.vector_load_idx %arg5[%rem3A_2, %parallel_loop3A_351] : memref<8x1024xf32, #tpu.memory_space<vmem>>[vector<16xi32>, vector<16xi32>], vector<16xf32>,
          %parallel_loop3A_353 = arith.constant 16 : i32
          %parallel_loop3A_354 = arith.muli %parallel_loop3A_353, %parallel_loop3A_347 : i32
          %parallel_loop3A_355 = arith.index_cast %parallel_loop3A_354 : i32 to index
          %parallel_loop3A_356 = tpu.vector_load %arg7[%parallel_loop3A_355] {strides = array<i32>} : memref<8192xf32, #tpu.memory_space<vmem>>, vector<16xf32>,
          tpu.vector_store %arg7[%parallel_loop3A_355], %parallel_loop3A_352 {strides = array<i32>} : memref<8192xf32, #tpu.memory_space<vmem>>, vector<16xf32>,
          %parallel_loop3A_357 = arith.constant 4 : i32
          %parallel_loop3A_358 = arith.muli %parallel_loop3A_343, %parallel_loop3A_357 : i32
          %parallel_loop3A_359 = arith.constant 1 : i32
          %parallel_loop3A_360 = arith.addi %parallel_loop3A_358, %parallel_loop3A_359 : i32
          %parallel_loop3A_361 = arith.constant 2 : i32
          %parallel_loop3A_362 = arith.muli %parallel_loop3A_361, %parallel_loop3A_360 : i32
          %parallel_loop3A_363 = vector.broadcast %parallel_loop3A_362 : i32 to vector<16xi32>
          %parallel_loop3A_364 = arith.addi %div3A_4, %parallel_loop3A_363 : vector<16xi32>
          %parallel_loop3A_365 = tpu.vector_load_idx %arg5[%rem3A_2, %parallel_loop3A_364] : memref<8x1024xf32, #tpu.memory_space<vmem>>[vector<16xi32>, vector<16xi32>], vector<16xf32>,
          %parallel_loop3A_366 = arith.constant 16 : i32
          %parallel_loop3A_367 = arith.muli %parallel_loop3A_366, %parallel_loop3A_360 : i32
          %parallel_loop3A_368 = arith.index_cast %parallel_loop3A_367 : i32 to index
          %parallel_loop3A_369 = tpu.vector_load %arg7[%parallel_loop3A_368] {strides = array<i32>} : memref<8192xf32, #tpu.memory_space<vmem>>, vector<16xf32>,
          tpu.vector_store %arg7[%parallel_loop3A_368], %parallel_loop3A_365 {strides = array<i32>} : memref<8192xf32, #tpu.memory_space<vmem>>, vector<16xf32>,
          %parallel_loop3A_370 = arith.constant 4 : i32
          %parallel_loop3A_371 = arith.muli %parallel_loop3A_343, %parallel_loop3A_370 : i32
          %parallel_loop3A_372 = arith.constant 2 : i32
          %parallel_loop3A_373 = arith.addi %parallel_loop3A_371, %parallel_loop3A_372 : i32
          %parallel_loop3A_374 = arith.constant 2 : i32
          %parallel_loop3A_375 = arith.muli %parallel_loop3A_374, %parallel_loop3A_373 : i32
          %parallel_loop3A_376 = vector.broadcast %parallel_loop3A_375 : i32 to vector<16xi32>
          %parallel_loop3A_377 = arith.addi %div3A_4, %parallel_loop3A_376 : vector<16xi32>
          %parallel_loop3A_378 = tpu.vector_load_idx %arg5[%rem3A_2, %parallel_loop3A_377] : memref<8x1024xf32, #tpu.memory_space<vmem>>[vector<16xi32>, vector<16xi32>], vector<16xf32>,
          %parallel_loop3A_379 = arith.constant 16 : i32
          %parallel_loop3A_380 = arith.muli %parallel_loop3A_379, %parallel_loop3A_373 : i32
          %parallel_loop3A_381 = arith.index_cast %parallel_loop3A_380 : i32 to index
          %parallel_loop3A_382 = tpu.vector_load %arg7[%parallel_loop3A_381] {strides = array<i32>} : memref<8192xf32, #tpu.memory_space<vmem>>, vector<16xf32>,
          tpu.vector_store %arg7[%parallel_loop3A_381], %parallel_loop3A_378 {strides = array<i32>} : memref<8192xf32, #tpu.memory_space<vmem>>, vector<16xf32>,
          %parallel_loop3A_383 = arith.constant 4 : i32
          %parallel_loop3A_384 = arith.muli %parallel_loop3A_343, %parallel_loop3A_383 : i32
          %parallel_loop3A_385 = arith.constant 3 : i32
          %parallel_loop3A_386 = arith.addi %parallel_loop3A_384, %parallel_loop3A_385 : i32
          %parallel_loop3A_387 = arith.constant 2 : i32
          %parallel_loop3A_388 = arith.muli %parallel_loop3A_387, %parallel_loop3A_386 : i32
          %parallel_loop3A_389 = vector.broadcast %parallel_loop3A_388 : i32 to vector<16xi32>
          %parallel_loop3A_390 = arith.addi %div3A_4, %parallel_loop3A_389 : vector<16xi32>
          %parallel_loop3A_391 = tpu.vector_load_idx %arg5[%rem3A_2, %parallel_loop3A_390] : memref<8x1024xf32, #tpu.memory_space<vmem>>[vector<16xi32>, vector<16xi32>], vector<16xf32>,
          %parallel_loop3A_392 = arith.constant 16 : i32
          %parallel_loop3A_393 = arith.muli %parallel_loop3A_392, %parallel_loop3A_386 : i32
          %parallel_loop3A_394 = arith.index_cast %parallel_loop3A_393 : i32 to index
          %parallel_loop3A_395 = tpu.vector_load %arg7[%parallel_loop3A_394] {strides = array<i32>} : memref<8192xf32, #tpu.memory_space<vmem>>, vector<16xf32>,
          tpu.vector_store %arg7[%parallel_loop3A_394], %parallel_loop3A_391 {strides = array<i32>} : memref<8192xf32, #tpu.memory_space<vmem>>, vector<16xf32>,
        } {sc.loop_unroll_factor = 4 : i64, sc.parallel_access}
      } else {
      }
      %mul3A_183 = arith.constant 32 : i32
      %mul3A_184 = arith.muli %mul3A_183, %mul3A_79 : i32
      %add3A_185 = arith.addi %add3A, %mul3A_184 : i32
      %ge3A_186 = arith.constant 0 : i32
      %ge3A_187 = arith.cmpi sge, %add3A_185, %ge3A_186 : i32
      %lt3A_188 = arith.constant 2548 : i32
      %lt3A_189 = arith.cmpi slt, %add3A_185, %lt3A_188 : i32
      %and3A_190 = arith.andi %ge3A_187, %lt3A_189 : i1
      %jit3A_191 = arith.constant 0 : i32
      %jit3A_192 = arith.constant 2547 : i32
      %max3A_193 = arith.maxsi %jit3A_191, %add3A_185 : i32
      %min3A_194 = arith.minsi %jit3A_192, %max3A_193 : i32
      %div3A_195 = arith.constant 98 : i32
      %div3A_196 = arith.divsi %min3A_194, %div3A_195 : i32
      %rem3A_197 = arith.constant 98 : i32
      %rem3A_198 = arith.remsi %min3A_194, %rem3A_197 : i32
      %eq3A_199 = arith.constant 97 : i32
      %eq3A_200 = arith.cmpi eq, %rem3A_198, %eq3A_199 : i32
      %mul3A_201 = arith.constant 1024 : i32
      %mul3A_202 = arith.muli %rem3A_198, %mul3A_201 : i32
      %jit3A_203 = arith.constant 98944 : i32
      %select_n3A_204 = arith.select %eq3A_200, %jit3A_203, %mul3A_202 : i32
      %convert_element_type3A_205 = arith.extui %and3A_190 : i1 to i32
      %cond3A_206 = arith.constant 0 : i32
      %cond3A_207 = arith.cmpi ne, %convert_element_type3A_205, %cond3A_206 : i32
      scf.if %cond3A_207 {
        %mul3A_341 = arith.constant 100096 : i32
        %mul3A_342 = arith.muli %div3A_196, %mul3A_341 : i32
        %add3A_343 = arith.addi %mul3A_342, %select_n3A_204 : i32
        %mul3A_344 = arith.constant 8 : i32
        %mul3A_345 = arith.muli %add3A_343, %mul3A_344 : i32
        %dma_start3A = tpu.memref_slice %arg4[%mul3A_345] : memref<20819968xf32, #tpu.memory_space<hbm>> -> memref<8192xf32, #tpu.memory_space<hbm>>
        %dma_start3A_346 = tpu.memref_slice %arg4[%mul3A_345] : memref<20819968xf32, #tpu.memory_space<hbm>> -> memref<8192xf32, #tpu.memory_space<hbm>>
        tpu.enqueue_dma source(%arg7 : memref<8192xf32, #tpu.memory_space<vmem>>) target(%dma_start3A_346 : memref<8192xf32, #tpu.memory_space<hbm>>) target_semaphore(%arg11 : memref<!tpu.dma_semaphore, #tpu.memory_space<semaphore_mem>>)
      } else {
      }
      %mul3A_208 = arith.constant 2 : i32
      %mul3A_209 = arith.muli %mul3A_208, %scan3A_77 : i32
      %add3A_210 = arith.constant 1 : i32
      %add3A_211 = arith.addi %mul3A_209, %add3A_210 : i32
      %mul3A_212 = arith.constant 32 : i32
      %mul3A_213 = arith.muli %mul3A_212, %add3A_211 : i32
      %add3A_214 = arith.addi %add3A, %mul3A_213 : i32
      %ge3A_215 = arith.constant 0 : i32
      %ge3A_216 = arith.cmpi sge, %add3A_214, %ge3A_215 : i32
      %lt3A_217 = arith.constant 2548 : i32
      %lt3A_218 = arith.cmpi slt, %add3A_214, %lt3A_217 : i32
      %and3A_219 = arith.andi %ge3A_216, %lt3A_218 : i1
      %jit3A_220 = arith.constant 0 : i32
      %jit3A_221 = arith.constant 2547 : i32
      %max3A_222 = arith.maxsi %jit3A_220, %add3A_214 : i32
      %min3A_223 = arith.minsi %jit3A_221, %max3A_222 : i32
      %div3A_224 = arith.constant 98 : i32
      %div3A_225 = arith.divsi %min3A_223, %div3A_224 : i32
      %rem3A_226 = arith.constant 98 : i32
      %rem3A_227 = arith.remsi %min3A_223, %rem3A_226 : i32
      %eq3A_228 = arith.constant 97 : i32
      %eq3A_229 = arith.cmpi eq, %rem3A_227, %eq3A_228 : i32
      %mul3A_230 = arith.constant 1024 : i32
      %mul3A_231 = arith.muli %rem3A_227, %mul3A_230 : i32
      %jit3A_232 = arith.constant 98944 : i32
      %select_n3A_233 = arith.select %eq3A_229, %jit3A_232, %mul3A_231 : i32
      %convert_element_type3A_234 = arith.extui %and3A_219 : i1 to i32
      %cond3A_235 = arith.constant 0 : i32
      %cond3A_236 = arith.cmpi ne, %convert_element_type3A_234, %cond3A_235 : i32
      scf.if %cond3A_236 {
        %dma_wait3A = arith.constant 0 : i32
        %dma_wait3A_341 = tpu.memref_slice %arg2[%div3A_225, %dma_wait3A, %select_n3A_233] : memref<26x8x100000xf32, #tpu.memory_space<hbm>> -> memref<1x8x1024xf32, #tpu.memory_space<hbm>>
        %dma_wait3A_342 = tpu.memref_squeeze %dma_wait3A_341 : memref<1x8x1024xf32, #tpu.memory_space<hbm>> -> memref<8x1024xf32, #tpu.memory_space<hbm>>
        %dma_wait3A_343 = arith.constant 0 : i32
        %dma_wait3A_344 = tpu.memref_slice %arg2[%div3A_225, %dma_wait3A_343, %select_n3A_233] : memref<26x8x100000xf32, #tpu.memory_space<hbm>> -> memref<1x8x1024xf32, #tpu.memory_space<hbm>>
        %dma_wait3A_345 = tpu.memref_squeeze %dma_wait3A_344 : memref<1x8x1024xf32, #tpu.memory_space<hbm>> -> memref<8x1024xf32, #tpu.memory_space<hbm>>
        tpu.wait_dma2 semaphore(%arg10 : memref<!tpu.dma_semaphore, #tpu.memory_space<semaphore_mem>>) src(%dma_wait3A_345 : memref<8x1024xf32, #tpu.memory_space<hbm>>) dst(%arg6 : memref<8x1024xf32, #tpu.memory_space<vmem>>)
      } else {
      }
      %add3A_237 = arith.constant 1 : i32
      %add3A_238 = arith.addi %add3A_211, %add3A_237 : i32
      %mul3A_239 = arith.constant 32 : i32
      %mul3A_240 = arith.muli %mul3A_239, %add3A_238 : i32
      %add3A_241 = arith.addi %add3A, %mul3A_240 : i32
      %ge3A_242 = arith.constant 0 : i32
      %ge3A_243 = arith.cmpi sge, %add3A_241, %ge3A_242 : i32
      %lt3A_244 = arith.constant 2548 : i32
      %lt3A_245 = arith.cmpi slt, %add3A_241, %lt3A_244 : i32
      %and3A_246 = arith.andi %ge3A_243, %lt3A_245 : i1
      %jit3A_247 = arith.constant 0 : i32
      %jit3A_248 = arith.constant 2547 : i32
      %max3A_249 = arith.maxsi %jit3A_247, %add3A_241 : i32
      %min3A_250 = arith.minsi %jit3A_248, %max3A_249 : i32
      %div3A_251 = arith.constant 98 : i32
      %div3A_252 = arith.divsi %min3A_250, %div3A_251 : i32
      %rem3A_253 = arith.constant 98 : i32
      %rem3A_254 = arith.remsi %min3A_250, %rem3A_253 : i32
      %eq3A_255 = arith.constant 97 : i32
      %eq3A_256 = arith.cmpi eq, %rem3A_254, %eq3A_255 : i32
      %mul3A_257 = arith.constant 1024 : i32
      %mul3A_258 = arith.muli %rem3A_254, %mul3A_257 : i32
      %jit3A_259 = arith.constant 98944 : i32
      %select_n3A_260 = arith.select %eq3A_256, %jit3A_259, %mul3A_258 : i32
      %convert_element_type3A_261 = arith.extui %and3A_246 : i1 to i32
      %cond3A_262 = arith.constant 0 : i32
      %cond3A_263 = arith.cmpi ne, %convert_element_type3A_261, %cond3A_262 : i32
      scf.if %cond3A_263 {
        %dma_start3A = arith.constant 0 : i32
        %dma_start3A_341 = tpu.memref_slice %arg2[%div3A_252, %dma_start3A, %select_n3A_260] : memref<26x8x100000xf32, #tpu.memory_space<hbm>> -> memref<1x8x1024xf32, #tpu.memory_space<hbm>>
        %dma_start3A_342 = tpu.memref_squeeze %dma_start3A_341 : memref<1x8x1024xf32, #tpu.memory_space<hbm>> -> memref<8x1024xf32, #tpu.memory_space<hbm>>
        %dma_start3A_343 = arith.constant 0 : i32
        %dma_start3A_344 = tpu.memref_slice %arg2[%div3A_252, %dma_start3A_343, %select_n3A_260] : memref<26x8x100000xf32, #tpu.memory_space<hbm>> -> memref<1x8x1024xf32, #tpu.memory_space<hbm>>
        %dma_start3A_345 = tpu.memref_squeeze %dma_start3A_344 : memref<1x8x1024xf32, #tpu.memory_space<hbm>> -> memref<8x1024xf32, #tpu.memory_space<hbm>>
        tpu.enqueue_dma source(%dma_start3A_345 : memref<8x1024xf32, #tpu.memory_space<hbm>>) target(%arg5 : memref<8x1024xf32, #tpu.memory_space<vmem>>) target_semaphore(%arg10 : memref<!tpu.dma_semaphore, #tpu.memory_space<semaphore_mem>>)
      } else {
      }
      %sub3A_264 = arith.constant 2 : i32
      %sub3A_265 = arith.subi %add3A_211, %sub3A_264 : i32
      %mul3A_266 = arith.constant 32 : i32
      %mul3A_267 = arith.muli %mul3A_266, %sub3A_265 : i32
      %add3A_268 = arith.addi %add3A, %mul3A_267 : i32
      %ge3A_269 = arith.constant 0 : i32
      %ge3A_270 = arith.cmpi sge, %add3A_268, %ge3A_269 : i32
      %lt3A_271 = arith.constant 2548 : i32
      %lt3A_272 = arith.cmpi slt, %add3A_268, %lt3A_271 : i32
      %and3A_273 = arith.andi %ge3A_270, %lt3A_272 : i1
      %jit3A_274 = arith.constant 0 : i32
      %jit3A_275 = arith.constant 2547 : i32
      %max3A_276 = arith.maxsi %jit3A_274, %add3A_268 : i32
      %min3A_277 = arith.minsi %jit3A_275, %max3A_276 : i32
      %div3A_278 = arith.constant 98 : i32
      %div3A_279 = arith.divsi %min3A_277, %div3A_278 : i32
      %rem3A_280 = arith.constant 98 : i32
      %rem3A_281 = arith.remsi %min3A_277, %rem3A_280 : i32
      %eq3A_282 = arith.constant 97 : i32
      %eq3A_283 = arith.cmpi eq, %rem3A_281, %eq3A_282 : i32
      %mul3A_284 = arith.constant 1024 : i32
      %mul3A_285 = arith.muli %rem3A_281, %mul3A_284 : i32
      %jit3A_286 = arith.constant 98944 : i32
      %select_n3A_287 = arith.select %eq3A_283, %jit3A_286, %mul3A_285 : i32
      %convert_element_type3A_288 = arith.extui %and3A_273 : i1 to i32
      %cond3A_289 = arith.constant 0 : i32
      %cond3A_290 = arith.cmpi ne, %convert_element_type3A_288, %cond3A_289 : i32
      scf.if %cond3A_290 {
        %mul3A_341 = arith.constant 100096 : i32
        %mul3A_342 = arith.muli %div3A_279, %mul3A_341 : i32
        %add3A_343 = arith.addi %mul3A_342, %select_n3A_287 : i32
        %mul3A_344 = arith.constant 8 : i32
        %mul3A_345 = arith.muli %add3A_343, %mul3A_344 : i32
        %dma_wait3A = tpu.memref_slice %arg4[%mul3A_345] : memref<20819968xf32, #tpu.memory_space<hbm>> -> memref<8192xf32, #tpu.memory_space<hbm>>
        %dma_wait3A_346 = tpu.memref_slice %arg4[%mul3A_345] : memref<20819968xf32, #tpu.memory_space<hbm>> -> memref<8192xf32, #tpu.memory_space<hbm>>
        tpu.wait_dma2 semaphore(%arg12 : memref<!tpu.dma_semaphore, #tpu.memory_space<semaphore_mem>>) src(%arg8 : memref<8192xf32, #tpu.memory_space<vmem>>) dst(%dma_wait3A_346 : memref<8192xf32, #tpu.memory_space<hbm>>)
      } else {
      }
      %mul3A_291 = arith.constant 32 : i32
      %mul3A_292 = arith.muli %mul3A_291, %add3A_211 : i32
      %add3A_293 = arith.addi %add3A, %mul3A_292 : i32
      %ge3A_294 = arith.constant 0 : i32
      %ge3A_295 = arith.cmpi sge, %add3A_293, %ge3A_294 : i32
      %lt3A_296 = arith.constant 2548 : i32
      %lt3A_297 = arith.cmpi slt, %add3A_293, %lt3A_296 : i32
      %and3A_298 = arith.andi %ge3A_295, %lt3A_297 : i1
      %jit3A_299 = arith.constant 0 : i32
      %jit3A_300 = arith.constant 2547 : i32
      %max3A_301 = arith.maxsi %jit3A_299, %add3A_293 : i32
      %min3A_302 = arith.minsi %jit3A_300, %max3A_301 : i32
      %div3A_303 = arith.constant 98 : i32
      %div3A_304 = arith.divsi %min3A_302, %div3A_303 : i32
      %rem3A_305 = arith.constant 98 : i32
      %rem3A_306 = arith.remsi %min3A_302, %rem3A_305 : i32
      %eq3A_307 = arith.constant 97 : i32
      %eq3A_308 = arith.cmpi eq, %rem3A_306, %eq3A_307 : i32
      %mul3A_309 = arith.constant 1024 : i32
      %mul3A_310 = arith.muli %rem3A_306, %mul3A_309 : i32
      %jit3A_311 = arith.constant 98944 : i32
      %select_n3A_312 = arith.select %eq3A_308, %jit3A_311, %mul3A_310 : i32
      %convert_element_type3A_313 = arith.extui %and3A_298 : i1 to i32
      %cond3A_314 = arith.constant 0 : i32
      %cond3A_315 = arith.cmpi ne, %convert_element_type3A_313, %cond3A_314 : i32
      scf.if %cond3A_315 {
        %parallel_loop3A = arith.constant 0 : i32
        %parallel_loop3A_341 = arith.constant 128 : i32
        %parallel_loop3A_342 = arith.constant 1 : i32
        scf.for %parallel_loop3A_343 = %parallel_loop3A to %parallel_loop3A_341 step %parallel_loop3A_342  : i32 {
          %parallel_loop3A_344 = arith.constant 4 : i32
          %parallel_loop3A_345 = arith.muli %parallel_loop3A_343, %parallel_loop3A_344 : i32
          %parallel_loop3A_346 = arith.constant 0 : i32
          %parallel_loop3A_347 = arith.addi %parallel_loop3A_345, %parallel_loop3A_346 : i32
          %parallel_loop3A_348 = arith.constant 2 : i32
          %parallel_loop3A_349 = arith.muli %parallel_loop3A_348, %parallel_loop3A_347 : i32
          %parallel_loop3A_350 = vector.broadcast %parallel_loop3A_349 : i32 to vector<16xi32>
          %parallel_loop3A_351 = arith.addi %div3A_4, %parallel_loop3A_350 : vector<16xi32>
          %parallel_loop3A_352 = tpu.vector_load_idx %arg6[%rem3A_2, %parallel_loop3A_351] : memref<8x1024xf32, #tpu.memory_space<vmem>>[vector<16xi32>, vector<16xi32>], vector<16xf32>,
          %parallel_loop3A_353 = arith.constant 16 : i32
          %parallel_loop3A_354 = arith.muli %parallel_loop3A_353, %parallel_loop3A_347 : i32
          %parallel_loop3A_355 = arith.index_cast %parallel_loop3A_354 : i32 to index
          %parallel_loop3A_356 = tpu.vector_load %arg8[%parallel_loop3A_355] {strides = array<i32>} : memref<8192xf32, #tpu.memory_space<vmem>>, vector<16xf32>,
          tpu.vector_store %arg8[%parallel_loop3A_355], %parallel_loop3A_352 {strides = array<i32>} : memref<8192xf32, #tpu.memory_space<vmem>>, vector<16xf32>,
          %parallel_loop3A_357 = arith.constant 4 : i32
          %parallel_loop3A_358 = arith.muli %parallel_loop3A_343, %parallel_loop3A_357 : i32
          %parallel_loop3A_359 = arith.constant 1 : i32
          %parallel_loop3A_360 = arith.addi %parallel_loop3A_358, %parallel_loop3A_359 : i32
          %parallel_loop3A_361 = arith.constant 2 : i32
          %parallel_loop3A_362 = arith.muli %parallel_loop3A_361, %parallel_loop3A_360 : i32
          %parallel_loop3A_363 = vector.broadcast %parallel_loop3A_362 : i32 to vector<16xi32>
          %parallel_loop3A_364 = arith.addi %div3A_4, %parallel_loop3A_363 : vector<16xi32>
          %parallel_loop3A_365 = tpu.vector_load_idx %arg6[%rem3A_2, %parallel_loop3A_364] : memref<8x1024xf32, #tpu.memory_space<vmem>>[vector<16xi32>, vector<16xi32>], vector<16xf32>,
          %parallel_loop3A_366 = arith.constant 16 : i32
          %parallel_loop3A_367 = arith.muli %parallel_loop3A_366, %parallel_loop3A_360 : i32
          %parallel_loop3A_368 = arith.index_cast %parallel_loop3A_367 : i32 to index
          %parallel_loop3A_369 = tpu.vector_load %arg8[%parallel_loop3A_368] {strides = array<i32>} : memref<8192xf32, #tpu.memory_space<vmem>>, vector<16xf32>,
          tpu.vector_store %arg8[%parallel_loop3A_368], %parallel_loop3A_365 {strides = array<i32>} : memref<8192xf32, #tpu.memory_space<vmem>>, vector<16xf32>,
          %parallel_loop3A_370 = arith.constant 4 : i32
          %parallel_loop3A_371 = arith.muli %parallel_loop3A_343, %parallel_loop3A_370 : i32
          %parallel_loop3A_372 = arith.constant 2 : i32
          %parallel_loop3A_373 = arith.addi %parallel_loop3A_371, %parallel_loop3A_372 : i32
          %parallel_loop3A_374 = arith.constant 2 : i32
          %parallel_loop3A_375 = arith.muli %parallel_loop3A_374, %parallel_loop3A_373 : i32
          %parallel_loop3A_376 = vector.broadcast %parallel_loop3A_375 : i32 to vector<16xi32>
          %parallel_loop3A_377 = arith.addi %div3A_4, %parallel_loop3A_376 : vector<16xi32>
          %parallel_loop3A_378 = tpu.vector_load_idx %arg6[%rem3A_2, %parallel_loop3A_377] : memref<8x1024xf32, #tpu.memory_space<vmem>>[vector<16xi32>, vector<16xi32>], vector<16xf32>,
          %parallel_loop3A_379 = arith.constant 16 : i32
          %parallel_loop3A_380 = arith.muli %parallel_loop3A_379, %parallel_loop3A_373 : i32
          %parallel_loop3A_381 = arith.index_cast %parallel_loop3A_380 : i32 to index
          %parallel_loop3A_382 = tpu.vector_load %arg8[%parallel_loop3A_381] {strides = array<i32>} : memref<8192xf32, #tpu.memory_space<vmem>>, vector<16xf32>,
          tpu.vector_store %arg8[%parallel_loop3A_381], %parallel_loop3A_378 {strides = array<i32>} : memref<8192xf32, #tpu.memory_space<vmem>>, vector<16xf32>,
          %parallel_loop3A_383 = arith.constant 4 : i32
          %parallel_loop3A_384 = arith.muli %parallel_loop3A_343, %parallel_loop3A_383 : i32
          %parallel_loop3A_385 = arith.constant 3 : i32
          %parallel_loop3A_386 = arith.addi %parallel_loop3A_384, %parallel_loop3A_385 : i32
          %parallel_loop3A_387 = arith.constant 2 : i32
          %parallel_loop3A_388 = arith.muli %parallel_loop3A_387, %parallel_loop3A_386 : i32
          %parallel_loop3A_389 = vector.broadcast %parallel_loop3A_388 : i32 to vector<16xi32>
          %parallel_loop3A_390 = arith.addi %div3A_4, %parallel_loop3A_389 : vector<16xi32>
          %parallel_loop3A_391 = tpu.vector_load_idx %arg6[%rem3A_2, %parallel_loop3A_390] : memref<8x1024xf32, #tpu.memory_space<vmem>>[vector<16xi32>, vector<16xi32>], vector<16xf32>,
          %parallel_loop3A_392 = arith.constant 16 : i32
          %parallel_loop3A_393 = arith.muli %parallel_loop3A_392, %parallel_loop3A_386 : i32
          %parallel_loop3A_394 = arith.index_cast %parallel_loop3A_393 : i32 to index
          %parallel_loop3A_395 = tpu.vector_load %arg8[%parallel_loop3A_394] {strides = array<i32>} : memref<8192xf32, #tpu.memory_space<vmem>>, vector<16xf32>,
          tpu.vector_store %arg8[%parallel_loop3A_394], %parallel_loop3A_391 {strides = array<i32>} : memref<8192xf32, #tpu.memory_space<vmem>>, vector<16xf32>,
        } {sc.loop_unroll_factor = 4 : i64, sc.parallel_access}
      } else {
      }
      %mul3A_316 = arith.constant 32 : i32
      %mul3A_317 = arith.muli %mul3A_316, %add3A_211 : i32
      %add3A_318 = arith.addi %add3A, %mul3A_317 : i32
      %ge3A_319 = arith.constant 0 : i32
      %ge3A_320 = arith.cmpi sge, %add3A_318, %ge3A_319 : i32
      %lt3A_321 = arith.constant 2548 : i32
      %lt3A_322 = arith.cmpi slt, %add3A_318, %lt3A_321 : i32
      %and3A_323 = arith.andi %ge3A_320, %lt3A_322 : i1
      %jit3A_324 = arith.constant 0 : i32
      %jit3A_325 = arith.constant 2547 : i32
      %max3A_326 = arith.maxsi %jit3A_324, %add3A_318 : i32
      %min3A_327 = arith.minsi %jit3A_325, %max3A_326 : i32
      %div3A_328 = arith.constant 98 : i32
      %div3A_329 = arith.divsi %min3A_327, %div3A_328 : i32
      %rem3A_330 = arith.constant 98 : i32
      %rem3A_331 = arith.remsi %min3A_327, %rem3A_330 : i32
      %eq3A_332 = arith.constant 97 : i32
      %eq3A_333 = arith.cmpi eq, %rem3A_331, %eq3A_332 : i32
      %mul3A_334 = arith.constant 1024 : i32
      %mul3A_335 = arith.muli %rem3A_331, %mul3A_334 : i32
      %jit3A_336 = arith.constant 98944 : i32
      %select_n3A_337 = arith.select %eq3A_333, %jit3A_336, %mul3A_335 : i32
      %convert_element_type3A_338 = arith.extui %and3A_323 : i1 to i32
      %cond3A_339 = arith.constant 0 : i32
      %cond3A_340 = arith.cmpi ne, %convert_element_type3A_338, %cond3A_339 : i32
      scf.if %cond3A_340 {
        %mul3A_341 = arith.constant 100096 : i32
        %mul3A_342 = arith.muli %div3A_329, %mul3A_341 : i32
        %add3A_343 = arith.addi %mul3A_342, %select_n3A_337 : i32
        %mul3A_344 = arith.constant 8 : i32
        %mul3A_345 = arith.muli %add3A_343, %mul3A_344 : i32
        %dma_start3A = tpu.memref_slice %arg4[%mul3A_345] : memref<20819968xf32, #tpu.memory_space<hbm>> -> memref<8192xf32, #tpu.memory_space<hbm>>
        %dma_start3A_346 = tpu.memref_slice %arg4[%mul3A_345] : memref<20819968xf32, #tpu.memory_space<hbm>> -> memref<8192xf32, #tpu.memory_space<hbm>>
        tpu.enqueue_dma source(%arg8 : memref<8192xf32, #tpu.memory_space<vmem>>) target(%dma_start3A_346 : memref<8192xf32, #tpu.memory_space<hbm>>) target_semaphore(%arg12 : memref<!tpu.dma_semaphore, #tpu.memory_space<semaphore_mem>>)
      } else {
      }
    }
    %scan3A_23 = arith.constant 40 : i32
    %add3A_24 = arith.constant 2496 : i32
    %add3A_25 = arith.addi %add3A, %add3A_24 : i32
    %ge3A_26 = arith.constant 0 : i32
    %ge3A_27 = arith.cmpi sge, %add3A_25, %ge3A_26 : i32
    %lt3A_28 = arith.constant 2548 : i32
    %lt3A_29 = arith.cmpi slt, %add3A_25, %lt3A_28 : i32
    %and3A_30 = arith.andi %ge3A_27, %lt3A_29 : i1
    %jit3A_31 = arith.constant 0 : i32
    %jit3A_32 = arith.constant 2547 : i32
    %max3A_33 = arith.maxsi %jit3A_31, %add3A_25 : i32
    %min3A_34 = arith.minsi %jit3A_32, %max3A_33 : i32
    %div3A_35 = arith.constant 98 : i32
    %div3A_36 = arith.divsi %min3A_34, %div3A_35 : i32
    %rem3A_37 = arith.constant 98 : i32
    %rem3A_38 = arith.remsi %min3A_34, %rem3A_37 : i32
    %eq3A_39 = arith.constant 97 : i32
    %eq3A_40 = arith.cmpi eq, %rem3A_38, %eq3A_39 : i32
    %mul3A_41 = arith.constant 1024 : i32
    %mul3A_42 = arith.muli %rem3A_38, %mul3A_41 : i32
    %jit3A_43 = arith.constant 98944 : i32
    %select_n3A_44 = arith.select %eq3A_40, %jit3A_43, %mul3A_42 : i32
    %convert_element_type3A_45 = arith.extui %and3A_30 : i1 to i32
    %cond3A_46 = arith.constant 0 : i32
    %cond3A_47 = arith.cmpi ne, %convert_element_type3A_45, %cond3A_46 : i32
    scf.if %cond3A_47 {
      %mul3A_77 = arith.constant 100096 : i32
      %mul3A_78 = arith.muli %div3A_36, %mul3A_77 : i32
      %add3A_79 = arith.addi %mul3A_78, %select_n3A_44 : i32
      %mul3A_80 = arith.constant 8 : i32
      %mul3A_81 = arith.muli %add3A_79, %mul3A_80 : i32
      %dma_wait3A = tpu.memref_slice %arg4[%mul3A_81] : memref<20819968xf32, #tpu.memory_space<hbm>> -> memref<8192xf32, #tpu.memory_space<hbm>>
      %dma_wait3A_82 = tpu.memref_slice %arg4[%mul3A_81] : memref<20819968xf32, #tpu.memory_space<hbm>> -> memref<8192xf32, #tpu.memory_space<hbm>>
      tpu.wait_dma2 semaphore(%arg11 : memref<!tpu.dma_semaphore, #tpu.memory_space<semaphore_mem>>) src(%arg7 : memref<8192xf32, #tpu.memory_space<vmem>>) dst(%dma_wait3A_82 : memref<8192xf32, #tpu.memory_space<hbm>>)
    } else {
    }
    %add3A_48 = arith.constant 2528 : i32
    %add3A_49 = arith.addi %add3A, %add3A_48 : i32
    %ge3A_50 = arith.constant 0 : i32
    %ge3A_51 = arith.cmpi sge, %add3A_49, %ge3A_50 : i32
    %lt3A_52 = arith.constant 2548 : i32
    %lt3A_53 = arith.cmpi slt, %add3A_49, %lt3A_52 : i32
    %and3A_54 = arith.andi %ge3A_51, %lt3A_53 : i1
    %jit3A_55 = arith.constant 0 : i32
    %jit3A_56 = arith.constant 2547 : i32
    %max3A_57 = arith.maxsi %jit3A_55, %add3A_49 : i32
    %min3A_58 = arith.minsi %jit3A_56, %max3A_57 : i32
    %div3A_59 = arith.constant 98 : i32
    %div3A_60 = arith.divsi %min3A_58, %div3A_59 : i32
    %rem3A_61 = arith.constant 98 : i32
    %rem3A_62 = arith.remsi %min3A_58, %rem3A_61 : i32
    %eq3A_63 = arith.constant 97 : i32
    %eq3A_64 = arith.cmpi eq, %rem3A_62, %eq3A_63 : i32
    %mul3A_65 = arith.constant 1024 : i32
    %mul3A_66 = arith.muli %rem3A_62, %mul3A_65 : i32
    %jit3A_67 = arith.constant 98944 : i32
    %select_n3A_68 = arith.select %eq3A_64, %jit3A_67, %mul3A_66 : i32
    %convert_element_type3A_69 = arith.extui %and3A_54 : i1 to i32
    %cond3A_70 = arith.constant 0 : i32
    %cond3A_71 = arith.cmpi ne, %convert_element_type3A_69, %cond3A_70 : i32
    scf.if %cond3A_71 {
      %mul3A_77 = arith.constant 100096 : i32
      %mul3A_78 = arith.muli %div3A_60, %mul3A_77 : i32
      %add3A_79 = arith.addi %mul3A_78, %select_n3A_68 : i32
      %mul3A_80 = arith.constant 8 : i32
      %mul3A_81 = arith.muli %add3A_79, %mul3A_80 : i32
      %dma_wait3A = tpu.memref_slice %arg4[%mul3A_81] : memref<20819968xf32, #tpu.memory_space<hbm>> -> memref<8192xf32, #tpu.memory_space<hbm>>
      %dma_wait3A_82 = tpu.memref_slice %arg4[%mul3A_81] : memref<20819968xf32, #tpu.memory_space<hbm>> -> memref<8192xf32, #tpu.memory_space<hbm>>
      tpu.wait_dma2 semaphore(%arg12 : memref<!tpu.dma_semaphore, #tpu.memory_space<semaphore_mem>>) src(%arg8 : memref<8192xf32, #tpu.memory_space<vmem>>) dst(%dma_wait3A_82 : memref<8192xf32, #tpu.memory_space<hbm>>)
    } else {
    }
    %lt3A_72 = arith.constant 26 : i32
    %lt3A_73 = arith.cmpi slt, %add3A, %lt3A_72 : i32
    %convert_element_type3A_74 = arith.extui %lt3A_73 : i1 to i32
    %cond3A_75 = arith.constant 0 : i32
    %cond3A_76 = arith.cmpi ne, %convert_element_type3A_74, %cond3A_75 : i32
    scf.if %cond3A_76 {
      %mul3A_77 = arith.constant 256 : i32
      %mul3A_78 = arith.muli %add3A, %mul3A_77 : i32
      "tpu.region"() ({
        %run_scoped3A = tpu.sem_alloc : memref<!tpu.dma_semaphore, #tpu.memory_space<semaphore_mem>>
        %dma_start3A = tpu.memref_slice %arg3[%mul3A_78] : memref<6656xf32, #tpu.memory_space<hbm>> -> memref<256xf32, #tpu.memory_space<hbm>>
        %dma_start3A_85 = tpu.memref_slice %arg3[%mul3A_78] : memref<6656xf32, #tpu.memory_space<hbm>> -> memref<256xf32, #tpu.memory_space<hbm>>
        tpu.enqueue_dma source(%dma_start3A_85 : memref<256xf32, #tpu.memory_space<hbm>>) target(%arg9 : memref<256xf32, #tpu.memory_space<vmem>>) target_semaphore(%run_scoped3A : memref<!tpu.dma_semaphore, #tpu.memory_space<semaphore_mem>>)
        %dma_wait3A = tpu.memref_slice %arg3[%mul3A_78] : memref<6656xf32, #tpu.memory_space<hbm>> -> memref<256xf32, #tpu.memory_space<hbm>>
        %dma_wait3A_86 = tpu.memref_slice %arg3[%mul3A_78] : memref<6656xf32, #tpu.memory_space<hbm>> -> memref<256xf32, #tpu.memory_space<hbm>>
        tpu.wait_dma2 semaphore(%run_scoped3A : memref<!tpu.dma_semaphore, #tpu.memory_space<semaphore_mem>>) src(%dma_wait3A_86 : memref<256xf32, #tpu.memory_space<hbm>>) dst(%arg9 : memref<256xf32, #tpu.memory_space<vmem>>)
        tpu.yield
      }) : () -> ()
      %mul3A_79 = arith.constant 100096 : i32
      %mul3A_80 = arith.muli %add3A, %mul3A_79 : i32
      %add3A_81 = arith.constant 99968 : i32
      %add3A_82 = arith.addi %mul3A_80, %add3A_81 : i32
      %mul3A_83 = arith.constant 8 : i32
      %mul3A_84 = arith.muli %add3A_82, %mul3A_83 : i32
      "tpu.region"() ({
        %run_scoped3A = tpu.sem_alloc : memref<!tpu.dma_semaphore, #tpu.memory_space<semaphore_mem>>
        %dma_start3A = tpu.memref_slice %arg4[%mul3A_84] : memref<20819968xf32, #tpu.memory_space<hbm>> -> memref<256xf32, #tpu.memory_space<hbm>>
        %dma_start3A_85 = tpu.memref_slice %arg4[%mul3A_84] : memref<20819968xf32, #tpu.memory_space<hbm>> -> memref<256xf32, #tpu.memory_space<hbm>>
        tpu.enqueue_dma source(%arg9 : memref<256xf32, #tpu.memory_space<vmem>>) target(%dma_start3A_85 : memref<256xf32, #tpu.memory_space<hbm>>) target_semaphore(%run_scoped3A : memref<!tpu.dma_semaphore, #tpu.memory_space<semaphore_mem>>)
        %dma_wait3A = tpu.memref_slice %arg4[%mul3A_84] : memref<20819968xf32, #tpu.memory_space<hbm>> -> memref<256xf32, #tpu.memory_space<hbm>>
        %dma_wait3A_86 = tpu.memref_slice %arg4[%mul3A_84] : memref<20819968xf32, #tpu.memory_space<hbm>> -> memref<256xf32, #tpu.memory_space<hbm>>
        tpu.wait_dma2 semaphore(%run_scoped3A : memref<!tpu.dma_semaphore, #tpu.memory_space<semaphore_mem>>) src(%arg9 : memref<256xf32, #tpu.memory_space<vmem>>) dst(%dma_wait3A_86 : memref<256xf32, #tpu.memory_space<hbm>>)
        tpu.yield
      }) : () -> ()
    } else {
    }
    return
  }
}

#map = affine_map<(d0, d1) -> (0, 0)>
#map1 = affine_map<(d0, d1) -> (0, 0, 0)>
#map2 = affine_map<(d0, d1) -> (0, 0, 0, 0)>
module attributes {stable_mosaic.version = 14 : i64} {
  func.func @k(%arg0: i32, %arg1: i32, %arg2: memref<2602496x8xf32, #tpu.memory_space<hbm>>, %arg3: memref<32x104x128xi32, #tpu.memory_space<hbm>>, %arg4: memref<32x104x128x8xf32, #tpu.memory_space<hbm>>, %arg5: memref<104x128xi32, #tpu.memory_space<vmem>>, %arg6: memref<104x128x8xf32, #tpu.memory_space<vmem>>, %arg7: memref<!tpu.dma_semaphore, #tpu.memory_space<semaphore_mem>>) attributes {dimension_semantics = [#tpu.dimension_semantics<core_parallel>, #tpu.dimension_semantics<subcore_parallel>], iteration_bounds = array<i64: 2, 16>, scalar_prefetch = 0 : i64, scratch_operands = 3 : i64, tpu.core_type = #tpu.core_type<sc_vector_subcore>, window_params = [{transform_indices = #map}, {transform_indices = #map1}, {transform_indices = #map2}]} {
    %mul3A = arith.constant 2 : i32
    %mul3A_0 = arith.muli %arg1, %mul3A : i32
    %add3A = arith.addi %mul3A_0, %arg0 : i32
    "tpu.region"() ({
      %run_scoped3A = tpu.sem_alloc : memref<!tpu.dma_semaphore, #tpu.memory_space<semaphore_mem>>
      %dma_start3A = arith.constant 0 : i32
      %dma_start3A_12 = arith.constant 0 : i32
      %dma_start3A_13 = tpu.memref_slice %arg3[%add3A, %dma_start3A, %dma_start3A_12] : memref<32x104x128xi32, #tpu.memory_space<hbm>> -> memref<1x104x128xi32, #tpu.memory_space<hbm>>
      %dma_start3A_14 = tpu.memref_squeeze %dma_start3A_13 : memref<1x104x128xi32, #tpu.memory_space<hbm>> -> memref<104x128xi32, #tpu.memory_space<hbm>>
      %dma_start3A_15 = arith.constant 0 : i32
      %dma_start3A_16 = arith.constant 0 : i32
      %dma_start3A_17 = tpu.memref_slice %arg3[%add3A, %dma_start3A_15, %dma_start3A_16] : memref<32x104x128xi32, #tpu.memory_space<hbm>> -> memref<1x104x128xi32, #tpu.memory_space<hbm>>
      %dma_start3A_18 = tpu.memref_squeeze %dma_start3A_17 : memref<1x104x128xi32, #tpu.memory_space<hbm>> -> memref<104x128xi32, #tpu.memory_space<hbm>>
      tpu.enqueue_dma source(%dma_start3A_18 : memref<104x128xi32, #tpu.memory_space<hbm>>) target(%arg5 : memref<104x128xi32, #tpu.memory_space<vmem>>) target_semaphore(%run_scoped3A : memref<!tpu.dma_semaphore, #tpu.memory_space<semaphore_mem>>)
      %dma_wait3A = arith.constant 0 : i32
      %dma_wait3A_19 = arith.constant 0 : i32
      %dma_wait3A_20 = tpu.memref_slice %arg3[%add3A, %dma_wait3A, %dma_wait3A_19] : memref<32x104x128xi32, #tpu.memory_space<hbm>> -> memref<1x104x128xi32, #tpu.memory_space<hbm>>
      %dma_wait3A_21 = tpu.memref_squeeze %dma_wait3A_20 : memref<1x104x128xi32, #tpu.memory_space<hbm>> -> memref<104x128xi32, #tpu.memory_space<hbm>>
      %dma_wait3A_22 = arith.constant 0 : i32
      %dma_wait3A_23 = arith.constant 0 : i32
      %dma_wait3A_24 = tpu.memref_slice %arg3[%add3A, %dma_wait3A_22, %dma_wait3A_23] : memref<32x104x128xi32, #tpu.memory_space<hbm>> -> memref<1x104x128xi32, #tpu.memory_space<hbm>>
      %dma_wait3A_25 = tpu.memref_squeeze %dma_wait3A_24 : memref<1x104x128xi32, #tpu.memory_space<hbm>> -> memref<104x128xi32, #tpu.memory_space<hbm>>
      tpu.wait_dma2 semaphore(%run_scoped3A : memref<!tpu.dma_semaphore, #tpu.memory_space<semaphore_mem>>) src(%dma_wait3A_25 : memref<104x128xi32, #tpu.memory_space<hbm>>) dst(%arg5 : memref<104x128xi32, #tpu.memory_space<vmem>>)
      tpu.yield
    }) : () -> ()
    %scan3A = arith.constant 0 : i32
    %scan3A_1 = arith.constant 0 : i32
    %scan3A_2 = arith.constant 104 : i32
    %scan3A_3 = arith.addi %scan3A_1, %scan3A_2 : i32
    %scan3A_4 = arith.constant 1 : i32
    scf.for %scan3A_12 = %scan3A_1 to %scan3A_3 step %scan3A_4  : i32 {
      %dma_start3A = arith.constant 0 : i32
      %dma_start3A_13 = arith.constant 0 : i32
      %dma_start3A_14 = tpu.memref_slice %arg6[%scan3A_12, %dma_start3A, %dma_start3A_13] : memref<104x128x8xf32, #tpu.memory_space<vmem>> -> memref<1x128x8xf32, #tpu.memory_space<vmem>>
      %dma_start3A_15 = tpu.memref_squeeze %dma_start3A_14 : memref<1x128x8xf32, #tpu.memory_space<vmem>> -> memref<128x8xf32, #tpu.memory_space<vmem>>
      %dma_start3A_16 = arith.constant 0 : i32
      %dma_start3A_17 = tpu.memref_slice %arg5[%scan3A_12, %dma_start3A_16] : memref<104x128xi32, #tpu.memory_space<vmem>> -> memref<1x128xi32, #tpu.memory_space<vmem>>
      %dma_start3A_18 = tpu.memref_squeeze %dma_start3A_17 : memref<1x128xi32, #tpu.memory_space<vmem>> -> memref<128xi32, #tpu.memory_space<vmem>>
      %dma_start3A_19 = arith.constant 0 : i32
      %dma_start3A_20 = arith.constant 0 : i32
      %dma_start3A_21 = tpu.memref_slice %arg2[%dma_start3A_19, %dma_start3A_20] : memref<2602496x8xf32, #tpu.memory_space<hbm>> -> memref<2602496x8xf32, #tpu.memory_space<hbm>>
      tpu.enqueue_indirect_dma source(%dma_start3A_21 : memref<2602496x8xf32, #tpu.memory_space<hbm>>) target(%dma_start3A_15 : memref<128x8xf32, #tpu.memory_space<vmem>>) offsets(%dma_start3A_18 : memref<128xi32, #tpu.memory_space<vmem>>) semaphore(%arg7 : memref<!tpu.dma_semaphore, #tpu.memory_space<semaphore_mem>>)
    }
    %scan3A_5 = arith.constant 104 : i32
    %scan3A_6 = arith.constant 0 : i32
    %scan3A_7 = arith.constant 0 : i32
    %scan3A_8 = arith.constant 104 : i32
    %scan3A_9 = arith.addi %scan3A_7, %scan3A_8 : i32
    %scan3A_10 = arith.constant 1 : i32
    scf.for %scan3A_12 = %scan3A_7 to %scan3A_9 step %scan3A_10  : i32 {
      %dma_wait3A = arith.constant 0 : i32
      %dma_wait3A_13 = arith.constant 0 : i32
      %dma_wait3A_14 = tpu.memref_slice %arg6[%scan3A_12, %dma_wait3A, %dma_wait3A_13] : memref<104x128x8xf32, #tpu.memory_space<vmem>> -> memref<1x128x8xf32, #tpu.memory_space<vmem>>
      %dma_wait3A_15 = tpu.memref_squeeze %dma_wait3A_14 : memref<1x128x8xf32, #tpu.memory_space<vmem>> -> memref<128x8xf32, #tpu.memory_space<vmem>>
      %dma_wait3A_16 = arith.constant 0 : i32
      %dma_wait3A_17 = tpu.memref_slice %arg5[%scan3A_12, %dma_wait3A_16] : memref<104x128xi32, #tpu.memory_space<vmem>> -> memref<1x128xi32, #tpu.memory_space<vmem>>
      %dma_wait3A_18 = tpu.memref_squeeze %dma_wait3A_17 : memref<1x128xi32, #tpu.memory_space<vmem>> -> memref<128xi32, #tpu.memory_space<vmem>>
      %dma_wait3A_19 = arith.constant 0 : i32
      %dma_wait3A_20 = arith.constant 0 : i32
      %dma_wait3A_21 = tpu.memref_slice %arg2[%dma_wait3A_19, %dma_wait3A_20] : memref<2602496x8xf32, #tpu.memory_space<hbm>> -> memref<2602496x8xf32, #tpu.memory_space<hbm>>
      tpu.wait_indirect_dma semaphore(%arg7 : memref<!tpu.dma_semaphore, #tpu.memory_space<semaphore_mem>>) src(%dma_wait3A_21 : memref<2602496x8xf32, #tpu.memory_space<hbm>>) dst(%dma_wait3A_15 : memref<128x8xf32, #tpu.memory_space<vmem>>)
    }
    %scan3A_11 = arith.constant 104 : i32
    "tpu.region"() ({
      %run_scoped3A = tpu.sem_alloc : memref<!tpu.dma_semaphore, #tpu.memory_space<semaphore_mem>>
      %dma_start3A = arith.constant 0 : i32
      %dma_start3A_12 = arith.constant 0 : i32
      %dma_start3A_13 = arith.constant 0 : i32
      %dma_start3A_14 = tpu.memref_slice %arg4[%add3A, %dma_start3A, %dma_start3A_12, %dma_start3A_13] : memref<32x104x128x8xf32, #tpu.memory_space<hbm>> -> memref<1x104x128x8xf32, #tpu.memory_space<hbm>>
      %dma_start3A_15 = tpu.memref_squeeze %dma_start3A_14 : memref<1x104x128x8xf32, #tpu.memory_space<hbm>> -> memref<104x128x8xf32, #tpu.memory_space<hbm>>
      %dma_start3A_16 = arith.constant 0 : i32
      %dma_start3A_17 = arith.constant 0 : i32
      %dma_start3A_18 = arith.constant 0 : i32
      %dma_start3A_19 = tpu.memref_slice %arg4[%add3A, %dma_start3A_16, %dma_start3A_17, %dma_start3A_18] : memref<32x104x128x8xf32, #tpu.memory_space<hbm>> -> memref<1x104x128x8xf32, #tpu.memory_space<hbm>>
      %dma_start3A_20 = tpu.memref_squeeze %dma_start3A_19 : memref<1x104x128x8xf32, #tpu.memory_space<hbm>> -> memref<104x128x8xf32, #tpu.memory_space<hbm>>
      tpu.enqueue_dma source(%arg6 : memref<104x128x8xf32, #tpu.memory_space<vmem>>) target(%dma_start3A_20 : memref<104x128x8xf32, #tpu.memory_space<hbm>>) target_semaphore(%run_scoped3A : memref<!tpu.dma_semaphore, #tpu.memory_space<semaphore_mem>>)
      %dma_wait3A = arith.constant 0 : i32
      %dma_wait3A_21 = arith.constant 0 : i32
      %dma_wait3A_22 = arith.constant 0 : i32
      %dma_wait3A_23 = tpu.memref_slice %arg4[%add3A, %dma_wait3A, %dma_wait3A_21, %dma_wait3A_22] : memref<32x104x128x8xf32, #tpu.memory_space<hbm>> -> memref<1x104x128x8xf32, #tpu.memory_space<hbm>>
      %dma_wait3A_24 = tpu.memref_squeeze %dma_wait3A_23 : memref<1x104x128x8xf32, #tpu.memory_space<hbm>> -> memref<104x128x8xf32, #tpu.memory_space<hbm>>
      %dma_wait3A_25 = arith.constant 0 : i32
      %dma_wait3A_26 = arith.constant 0 : i32
      %dma_wait3A_27 = arith.constant 0 : i32
      %dma_wait3A_28 = tpu.memref_slice %arg4[%add3A, %dma_wait3A_25, %dma_wait3A_26, %dma_wait3A_27] : memref<32x104x128x8xf32, #tpu.memory_space<hbm>> -> memref<1x104x128x8xf32, #tpu.memory_space<hbm>>
      %dma_wait3A_29 = tpu.memref_squeeze %dma_wait3A_28 : memref<1x104x128x8xf32, #tpu.memory_space<hbm>> -> memref<104x128x8xf32, #tpu.memory_space<hbm>>
      tpu.wait_dma2 semaphore(%run_scoped3A : memref<!tpu.dma_semaphore, #tpu.memory_space<semaphore_mem>>) src(%arg6 : memref<104x128x8xf32, #tpu.memory_space<vmem>>) dst(%dma_wait3A_29 : memref<104x128x8xf32, #tpu.memory_space<hbm>>)
      tpu.yield
    }) : () -> ()
    return
  }
}

module attributes {stable_mosaic.version = 14 : i64} {
  func.func @_mlp_body(%arg0: i32, %arg1: memref<1024x208xf32, #tpu.memory_space<vmem>>, %arg2: memref<1024x13xf32, #tpu.memory_space<vmem>>, %arg3: memref<208x128xf32, #tpu.memory_space<vmem>>, %arg4: memref<13x128xf32, #tpu.memory_space<vmem>>, %arg5: memref<1x128xf32, #tpu.memory_space<vmem>>, %arg6: memref<1x128xf32, #tpu.memory_space<vmem>>, %arg7: memref<1x1xf32, #tpu.memory_space<vmem>>, %arg8: memref<1024x1xf32, #tpu.memory_space<vmem>>) attributes {dimension_semantics = [#tpu.dimension_semantics<arbitrary>], iteration_bounds = array<i64: 16>, scalar_prefetch = 0 : i64, scratch_operands = 0 : i64, tpu.core_type = #tpu.core_type<tc>, window_params = [{transform_indices = @transform_0, window_bounds = array<i64: 1024, 208>}, {transform_indices = @transform_1, window_bounds = array<i64: 1024, 13>}, {pipeline_mode = #tpu.pipeline_mode<synchronous>, transform_indices = @transform_2, window_bounds = array<i64: 208, 128>}, {pipeline_mode = #tpu.pipeline_mode<synchronous>, transform_indices = @transform_3, window_bounds = array<i64: 13, 128>}, {pipeline_mode = #tpu.pipeline_mode<synchronous>, transform_indices = @transform_4, window_bounds = array<i64: 1, 128>}, {pipeline_mode = #tpu.pipeline_mode<synchronous>, transform_indices = @transform_5, window_bounds = array<i64: 1, 128>}, {pipeline_mode = #tpu.pipeline_mode<synchronous>, transform_indices = @transform_6, window_bounds = array<i64: 1, 1>}, {transform_indices = @transform_7, window_bounds = array<i64: 1024, 1>}]} {
    %get3A = arith.constant 0 : index
    %get3A_0 = arith.constant 0 : index
    %get3A_1 = vector.load %arg1[%get3A, %get3A_0] : memref<1024x208xf32, #tpu.memory_space<vmem>>, vector<1024x208xf32>
    %get3A_2 = arith.constant 0 : index
    %get3A_3 = arith.constant 0 : index
    %get3A_4 = vector.load %arg3[%get3A_2, %get3A_3] : memref<208x128xf32, #tpu.memory_space<vmem>>, vector<208x128xf32>
    %dot_general3A = arith.constant dense<0.000000e+00> : vector<1024x128xf32>
    %dot_general3A_5 = tpu.matmul %get3A_1, %get3A_4, %dot_general3A {dimension_numbers = #tpu.dot_dimension_numbers<[1], [0], [0], [1], [0, 0, 1, 1], [], []>, transpose_lhs_hint = false} : vector<1024x208xf32>, vector<208x128xf32>, vector<1024x128xf32> -> vector<1024x128xf32>
    %get3A_6 = arith.constant 0 : index
    %get3A_7 = arith.constant 0 : index
    %get3A_8 = vector.load %arg2[%get3A_6, %get3A_7] : memref<1024x13xf32, #tpu.memory_space<vmem>>, vector<1024x13xf32>
    %get3A_9 = arith.constant 0 : index
    %get3A_10 = arith.constant 0 : index
    %get3A_11 = vector.load %arg4[%get3A_9, %get3A_10] : memref<13x128xf32, #tpu.memory_space<vmem>>, vector<13x128xf32>
    %dot_general3A_12 = arith.constant dense<0.000000e+00> : vector<1024x128xf32>
    %dot_general3A_13 = tpu.matmul %get3A_8, %get3A_11, %dot_general3A_12 {dimension_numbers = #tpu.dot_dimension_numbers<[1], [0], [0], [1], [0, 0, 1, 1], [], []>, transpose_lhs_hint = false} : vector<1024x13xf32>, vector<13x128xf32>, vector<1024x128xf32> -> vector<1024x128xf32>
    %add3A = arith.addf %dot_general3A_5, %dot_general3A_13 : vector<1024x128xf32>
    %get3A_14 = arith.constant 0 : index
    %get3A_15 = arith.constant 0 : index
    %get3A_16 = vector.load %arg5[%get3A_14, %get3A_15] : memref<1x128xf32, #tpu.memory_space<vmem>>, vector<1x128xf32>
    %add3A_17 = vector.broadcast %get3A_16 : vector<1x128xf32> to vector<1024x128xf32>
    %add3A_18 = arith.addf %add3A, %add3A_17 : vector<1024x128xf32>
    %max3A = arith.constant 0.000000e+00 : f32
    %max3A_19 = vector.broadcast %max3A : f32 to vector<1024x128xf32>
    %max3A_20 = arith.maximumf %add3A_18, %max3A_19 : vector<1024x128xf32>
    %get3A_21 = arith.constant 0 : index
    %get3A_22 = arith.constant 0 : index
    %get3A_23 = vector.load %arg6[%get3A_21, %get3A_22] : memref<1x128xf32, #tpu.memory_space<vmem>>, vector<1x128xf32>
    %mul3A = vector.broadcast %get3A_23 : vector<1x128xf32> to vector<1024x128xf32>
    %mul3A_24 = arith.mulf %max3A_20, %mul3A : vector<1024x128xf32>
    %reduce_sum3A = arith.constant dense<0.000000e+00> : vector<1024xf32>
    %reduce_sum3A_25 = vector.multi_reduction <add>, %mul3A_24, %reduce_sum3A [1] : vector<1024x128xf32> to vector<1024xf32>
    %broadcast_in_dim3A = vector.shape_cast %reduce_sum3A_25 : vector<1024xf32> to vector<1024x1xf32>
    %get3A_26 = arith.constant 0 : index
    %get3A_27 = arith.constant 0 : index
    %get3A_28 = vector.load %arg7[%get3A_26, %get3A_27] : memref<1x1xf32, #tpu.memory_space<vmem>>, vector<1x1xf32>
    %get3A_29 = vector.extract %get3A_28[0, 0] : f32 from vector<1x1xf32>
    %add3A_30 = vector.broadcast %get3A_29 : f32 to vector<1024x1xf32>
    %add3A_31 = arith.addf %broadcast_in_dim3A, %add3A_30 : vector<1024x1xf32>
    %logistic3A = arith.negf %add3A_31 : vector<1024x1xf32>
    %logistic3A_32 = math.exp %logistic3A : vector<1024x1xf32>
    %logistic3A_33 = arith.constant 1.000000e+00 : f32
    %logistic3A_34 = vector.broadcast %logistic3A_33 : f32 to vector<1024x1xf32>
    %logistic3A_35 = arith.addf %logistic3A_34, %logistic3A_32 : vector<1024x1xf32>
    %logistic3A_36 = arith.divf %logistic3A_34, %logistic3A_35 : vector<1024x1xf32>
    %swap3A = arith.constant 0 : index
    %swap3A_37 = arith.constant 0 : index
    %swap3A_38 = vector.load %arg8[%swap3A, %swap3A_37] : memref<1024x1xf32, #tpu.memory_space<vmem>>, vector<1024x1xf32>
    tpu.vector_store %arg8[%swap3A, %swap3A_37], %logistic3A_36 {strides = array<i32>} : memref<1024x1xf32, #tpu.memory_space<vmem>>, vector<1024x1xf32>,
    return
  }
  func.func @transform_0(%arg0: i32) -> (i32, i32) {
    %c0_i32 = arith.constant 0 : i32
    %c0_i32_0 = arith.constant 0 : i32
    return %arg0, %c0_i32 : i32, i32
  }
  func.func @transform_1(%arg0: i32) -> (i32, i32) {
    %c0_i32 = arith.constant 0 : i32
    %c0_i32_0 = arith.constant 0 : i32
    return %arg0, %c0_i32 : i32, i32
  }
  func.func @transform_2(%arg0: i32) -> (i32, i32) {
    %c0_i32 = arith.constant 0 : i32
    %c0_i32_0 = arith.constant 0 : i32
    %c0_i32_1 = arith.constant 0 : i32
    return %c0_i32, %c0_i32_0 : i32, i32
  }
  func.func @transform_3(%arg0: i32) -> (i32, i32) {
    %c0_i32 = arith.constant 0 : i32
    %c0_i32_0 = arith.constant 0 : i32
    %c0_i32_1 = arith.constant 0 : i32
    return %c0_i32, %c0_i32_0 : i32, i32
  }
  func.func @transform_4(%arg0: i32) -> (i32, i32) {
    %c0_i32 = arith.constant 0 : i32
    %c0_i32_0 = arith.constant 0 : i32
    %c0_i32_1 = arith.constant 0 : i32
    return %c0_i32, %c0_i32_0 : i32, i32
  }
  func.func @transform_5(%arg0: i32) -> (i32, i32) {
    %c0_i32 = arith.constant 0 : i32
    %c0_i32_0 = arith.constant 0 : i32
    %c0_i32_1 = arith.constant 0 : i32
    return %c0_i32, %c0_i32_0 : i32, i32
  }
  func.func @transform_6(%arg0: i32) -> (i32, i32) {
    %c0_i32 = arith.constant 0 : i32
    %c0_i32_0 = arith.constant 0 : i32
    %c0_i32_1 = arith.constant 0 : i32
    return %c0_i32, %c0_i32_0 : i32, i32
  }
  func.func @transform_7(%arg0: i32) -> (i32, i32) {
    %c0_i32 = arith.constant 0 : i32
    %c0_i32_0 = arith.constant 0 : i32
    return %arg0, %c0_i32 : i32, i32
  }
}

</mosaic_0001>

<sc_bundles>
// kernel: kernel.5.cloned.1.call-start
scs
__scs_entry_jumppad:
0x0: {  	(pc) =	sbr.rel $0x88, $3  }
0x1: {  	(tag) =	ssettag $0x0;
	lr =	simm.s32 $0x1  }
0x2: {  	[smem:$0x3F98] =	sst lr;
	_ =	strace $0xD0000000  }
0x3: {  	_ = 	snop  }
0x4: {  	_ = 	snop  }
0x5: {  	_ = 	snop  }
0x6: {  	_ = 	snop  }
0x7: {  	_ = 	snop  }
__scs_overlays_trampoline_lowered:
0x8: {  	[smem:$0x3FA7] =	sst s0  }
0x9: {  	[smem:$0x3FA8] =	sst s1  }
0xa: {  	[smem:$0x3FA9] =	sst s2  }
0xb: {  	[smem:$0x3FAA] =	sst s3  }
0xc: {  	[smem:$0x3FAB] =	sst s4  }
0xd: {  	[smem:$0x3FAC] =	sst s5  }
0xe: {  	[smem:$0x3FAD] =	sst s6  }
0xf: {  	[smem:$0x3FAE] =	sst s7  }
0x10: {  	[smem:$0x3FAF] =	sst s8  }
0x11: {  	[smem:$0x3FB0] =	sst s9;
	s0 =	simm.s32 @!p0 $0x0  }
0x12: {  	s1 =	sld [smem:$0x3F96];
	s0 =	simm.s32 @p0 $0x1  }
0x13: {  	[smem:$0x3FB1] =	sst s0;
	s0 =	simm.s32 @!p1 $0x0  }
0x14: {  	s2 =	sld [smem:$0x3F95];
	s0 =	simm.s32 @p1 $0x1  }
0x15: {  	[smem:$0x3FB2] =	sst s0;
	s0 =	simm.s32 @!p2 $0x0  }
0x16: {  	s3 =	sld [smem:$0x3FDB];
	s0 =	simm.s32 @p2 $0x1  }
0x17: {  	s4 =	simm.s32 $0x1BF5;
	[smem:$0x3FB4] =	sst s0  }
0x18: {  	s0 =	sld [smem:$0x3F97];
	_ =	swait.ge [sflag:s4], $0x0  }
0x19: {  	s7 =	sld [smem:$0x3F98]  }
0x1a: {  	s8 =	sadd.s32 $0xFFFFE003, lr  }
0x1b: {  	s9 =	sadd.s32 $0xFFFFFEF7, lr;
	s5 =	simm.s32 $0xFFFFFFFF;
	p2 =	slt.u32 s8, $0xFFFFF086  }
0x1c: {  	p1 =	slt.u32 s9, $0xF7A;
	s5 =	simm.s32 @!p2 $0x0  }
0x1d: {  	s5 =	simm.s32 @p1 $0x1;
	p0 =	seq.s32 s7, s2  }
0x1e: {  	s7 =	smul.u32 @!p0 $0xF7A, s2;
	p2 =	seq.s32 @!p0 s5, $0x0  }
0x1f: {  	s9 =	smul.u32 $0xF7A, s1;
	s8 =	simm.s32 @!p0 $0x1BF5;
	p2 =	por !p2, p0  }
0x20: {  	[sflag:s8] =	ssyncset.s32 @!p0 $0xFFFFF086;
	s6 =	sadd.s32 @!p0 s3, s7;
	s7 =	simm.s32 @!p0 $0x108  }
0x21: {  	s3 =	sadd.s32 s3, s9;
	s6 =	sadd.s32 @!p0 $0x88, s6;
	s7 =	simm.s32 @p2 $0x1082  }
0x22: {  	[simem:s7], [sflag:s8] =	dma.local @!p0 [hbm:s6], $0xF7A  }
0x23: {  	s9 =	sor.u32 $0xD0000000, s2;
	s6 =	simm.s32 $0x108;
	_ =	swait.ge @!p0 [sflag:s8], $0x0  }
0x24: {  	s3 =	sadd.s32 $0x88, s3;
	s6 =	simm.s32 @!p1 $0x1082;
	[sflag:s4] =	ssyncset.s32 $0xFFFFF086  }
0x25: {  	[simem:s6], [sflag:s4] =	dma.local [hbm:s3], $0xF7A  }
0x26: {  	[smem:$0x3F98] =	sst s1;
	(tag) =	ssettag s2;
	_ =	strace s9  }
0x27: {  	s1 =	sld [smem:$0x3FA8]  }
0x28: {  	s2 =	sld [smem:$0x3FA9]  }
0x29: {  	s4 =	sld [smem:$0x3FAB]  }
0x2a: {  	p0 =	seq.s32 s5, $0x0;
	s5 =	sld [smem:$0x3FAC]  }
0x2b: {  	s6 =	sld [smem:$0x3FAD]  }
0x2c: {  	s7 =	sld [smem:$0x3FAE]  }
0x2d: {  	s3 =	simm.s32 $0x108;
	s8 =	sld [smem:$0x3FAF]  }
0x2e: {  	s3 =	simm.s32 @!p0 $0x1082;
	s9 =	sld [smem:$0x3FB0]  }
0x2f: {  	lr =	sadd.s32 s0, s3;
	s0 =	sld [smem:$0x3FA7]  }
0x30: {  	s3 =	sld [smem:$0x3FAA]  }
0x31: {  	[smem:$0x3FB3] =	sst s10  }
0x32: {  	s10 =	sld [smem:$0x3FB1];
	_ =	sdelay $0x3  }
0x33: {  	p0 =	seq.s32 s10, $0x1;
	s10 =	sld [smem:$0x3FB3];
	_ =	sdelay $0x3  }
0x34: {  	[smem:$0x3FB3] =	sst s10  }
0x35: {  	s10 =	sld [smem:$0x3FB2];
	_ =	sdelay $0x3  }
0x36: {  	p1 =	seq.s32 s10, $0x1;
	s10 =	sld [smem:$0x3FB3];
	_ =	sdelay $0x3  }
0x37: {  	[smem:$0x3FB3] =	sst s10  }
0x38: {  	s10 =	sld [smem:$0x3FB4]  }
0x39: {  	_ = 	snop;
	(pc) =	sbr.ind lr, $3  }
0x3a: {  	_ = 	snop  }
0x3b: {  	_ = 	snop  }
0x3c: {  	p2 =	seq.s32 s10, $0x1;
	s10 =	sld [smem:$0x3FB3]  }
0x3d: {  	_ =	shalt  }
0x3e: {  	_ =	shalt  }
0x3f: {  	_ =	shalt  }
0x40: {  	_ =	shalt  }
0x41: {  	_ =	shalt  }
0x42: {  	_ =	shalt  }
0x43: {  	_ =	shalt  }
0x44: {  	_ =	shalt  }
0x45: {  	_ =	shalt  }
0x46: {  	_ =	shalt  }
0x47: {  	_ =	shalt  }
0x48: {  	_ =	shalt  }
0x49: {  	_ =	shalt  }
0x4a: {  	_ =	shalt  }
0x4b: {  	_ =	shalt  }
0x4c: {  	_ =	shalt  }
0x4d: {  	_ =	shalt  }
0x4e: {  	_ =	shalt  }
0x4f: {  	_ =	shalt  }
0x50: {  	_ =	shalt  }
0x51: {  	_ =	shalt  }
0x52: {  	_ =	shalt  }
0x53: {  	_ =	shalt  }
0x54: {  	_ =	shalt  }
0x55: {  	_ =	shalt  }
0x56: {  	_ =	shalt  }
0x57: {  	_ =	shalt  }
0x58: {  	_ =	shalt  }
0x59: {  	_ =	shalt  }
0x5a: {  	_ =	shalt  }
0x5b: {  	_ =	shalt  }
0x5c: {  	_ =	shalt  }
0x5d: {  	_ =	shalt  }
0x5e: {  	_ =	shalt  }
0x5f: {  	_ =	shalt  }
0x60: {  	_ =	shalt  }
0x61: {  	_ =	shalt  }
0x62: {  	_ =	shalt  }
0x63: {  	_ =	shalt  }
0x64: {  	_ =	shalt  }
0x65: {  	_ =	shalt  }
0x66: {  	_ =	shalt  }
0x67: {  	_ =	shalt  }
0x68: {  	_ =	shalt  }
0x69: {  	_ =	shalt  }
0x6a: {  	_ =	shalt  }
0x6b: {  	_ =	shalt  }
0x6c: {  	_ =	shalt  }
0x6d: {  	_ =	shalt  }
0x6e: {  	_ =	shalt  }
0x6f: {  	_ =	shalt  }
0x70: {  	_ =	shalt  }
0x71: {  	_ =	shalt  }
0x72: {  	_ =	shalt  }
0x73: {  	_ =	shalt  }
0x74: {  	_ =	shalt  }
0x75: {  	_ =	shalt  }
0x76: {  	_ =	shalt  }
0x77: {  	_ =	shalt  }
0x78: {  	_ =	shalt  }
0x79: {  	_ =	shalt  }
0x7a: {  	_ =	shalt  }
0x7b: {  	_ =	shalt  }
0x7c: {  	_ =	shalt  }
0x7d: {  	_ =	shalt  }
0x7e: {  	_ =	shalt  }
0x7f: {  	_ =	shalt  }
0x80: {  	_ =	shalt  }
0x81: {  	_ =	shalt  }
0x82: {  	_ =	shalt  }
0x83: {  	_ =	shalt  }
0x84: {  	_ =	shalt  }
0x85: {  	_ =	shalt  }
0x86: {  	_ =	shalt  }
0x87: {  	_ =	shalt  }
.Lfunc_end0:
.L_simem_size_0:
called_computation_lowered:
.L_overlay_start_0:
0x88: {  	s2 =	sld [smem:$0x3FD9]  }
0x89: {  	s3 =	sld [smem:$0x3FFE];
	_ =	sdelay $0x1  }
0x8a: {  	s1 =	srdreg.scid  }
0x8b: {  	s0 =	sand.u32 $0x1, s1  }
0x8c: {  	s17 =	sshll.u32 s0, $0xA;
	s2 =	sadd.s32 s3, s2  }
0x8d: {  	s2 =	sadd.s32 s2, s17  }
0x8e: {  	[smem:$0x3FBF] =	sst s2  }
0x8f: {  	_ = 	snop  }
0x90: {  	s2 =	sld [smem:$0x3FC7]  }
0x91: {  	s18 =	sld [smem:$0x3FD0];
	(tm) =	ssettm $0x1  }
0x92: {  	s4 =	sld [smem:$0x3FFB];
	_ =	sdelay $0x3  }
0x93: {  	_ =	strace s4  }
0x94: {  	s4 =	sld [smem:$0x3FFC];
	_ =	sdelay $0x3  }
0x95: {  	_ =	strace s4  }
0x96: {  	s4 =	sld [smem:$0x3FFD];
	_ =	sdelay $0x3  }
0x97: {  	_ =	strace s4  }
0x98: {  	_ =	strace $0x8FFFFFFF  }
0x99: {  	s19 =	sld [smem:$0x3FDB];
	_ =	sdelay $0x1  }
0x9a: {  	s5 =	simm.s32 $_scs_section_size  }
0x9b: {  	s6 =	simm.s32 $_size__tile_overlayer_lowered;
	s7 =	simm.s32 $_tile_overlayer_lowered  }
0x9c: {  	s22 =	simm.s32 $0x1BFF;
	s21 =	sshll.u32 s7, $0x1;
	s4 =	sadd.s32 s5, s19  }
0x9d: {  	s8 =	simm.s32 $0x0;
	s20 =	sshll.u32 s6, $0x1;
	s6 =	sadd.s32 s21, s4  }
0x9e: {  	[timem:s8], [sflag:s22] =	dma.local [hbm:s6], s20  }
0x9f: {  	_ =	swait.ge [sflag:s22], s20  }
0xa0: {  	s5 =	ssub.s32 $0x0, s20;
	[sflag:s22] =	ssyncset.done $0x0  }
0xa1: {  	[sflag:s22] =	ssyncadd.s32 s5;
	_ =	sdelay $0x1  }
0xa2: {  	s23 =	simm.s32 $0x1B8B  }
0xa3: {  	_ =	swait.ge [sflag:s23], $0x1  }
0xa4: {  	[sflag:s23] =	ssyncset.done $0x0  }
0xa5: {  	s25 =	simm.s32 $0x1B8E;
	s24 =	sld [smem:$0x3FFE];
	[sflag:s23] =	ssyncadd.s32 $0xFFFFFFFF  }
0xa6: {  	s26 =	simm.s32 $execute0_lowered;
	[smem:$0x3FD2] =	sst s25  }
0xa7: {  	s6 =	sshll.u32 s26, $0x1;
	_ =	strace $0x80000046;
	[dreg:$0x1] =	wrdreg $0xFFFFFFFF  }
0xa8: {  	s28 =	simm.s32 $_size_execute0_lowered;
	s4 =	sadd.s32 s4, s6;
	[dreg:$0x0] =	wrdreg $0x0  }
0xa9: {  	s6 =	sshll.u32 s28, $0x1;
	[dreg:$0x2] =	wrdreg s4  }
0xaa: {  	[dreg:$0x3] =	wrdreg s6  }
0xab: {  	[dreg:$0x4] =	wrdreg $0xC0  }
0xac: {  	_ =	task [dreg:s8], $0x5FFFF  }
0xad: {  	[dreg:$0x1] =	wrdreg $0xFFFFFFFF  }
0xae: {  	[dreg:$0x0] =	wrdreg $0x60  }
0xaf: {  	[dreg:$0x2] =	wrdreg s2  }
0xb0: {  	[dreg:$0x3] =	wrdreg s18  }
0xb1: {  	[dreg:$0x4] =	wrdreg s24  }
0xb2: {  	[dreg:$0x5] =	wrdreg $0x9  }
0xb3: {  	_ =	task.clear_ibuf [dreg:s8], $0x6FFFF;
	_ =	strace $0x90000046  }
0xb4: {  	s29 =	simm.s32 $0x9;
	_ =	strace $0x80000048  }
0xb5: {  	_ =	swait.ge [sflag:s29], $0x1  }
0xb6: {  	[sflag:s29] =	ssyncadd.s32 $0xFFFFFFFF  }
0xb7: {  	_ =	strace $0x90000048  }
0xb8: {  	_ =	sfence  }
0xb9: {  	s30 =	sld [smem:$0x0];
	_ =	sdelay $0x2  }
0xba: {  	s31 =	sshll.u32 s1, $0xD;
	s1 =	sshrl.u32 s1, $0x2  }
0xbb: {  	s3 =	sand.u32 $0x4000, s31;
	s1 =	sadd.s32 s1, s30  }
0xbc: {  	s0 =	sor.u32 s3, s0;
	s1 =	sshll.u32 s1, $0x11  }
0xbd: {  	s0 =	sor.u32 s1, s0  }
0xbe: {  	s0 =	sadd.s32 $0x8F2B, s0  }
0xbf: {  	[sflag:s0] =	ssyncadd.remote.s32 $0x1  }
0xc0: {  	_ =	sfence.sel $0xFFFF  }
0xc1: {  	[dreg:$0x0] =	wrdreg $0xFFFFFFFF;
	(pc) =	sbr.abs _section_cstart, $3  }
0xc2: {  	[dreg:$0x1] =	wrdreg $0xFFFFFFFF  }
0xc3: {  	_ =	task.clear_ibuf [dreg:s8], $0x2FFFF;
	_ =	strace $0x9FFFFFFF  }
0xc4: {  	(tm) =	ssettm $0x7FFFFFFF  }
0xc5: {  	_ =	shalt  }
tec
execute0_lowered:
.L_overlay_start_1:
0x0: {  	(tag) =	ssettag $0x1  }
0x1: {  	s1 =	rddreg [dreg:$0x0]  }
0x2: {  	s0 =	rddreg [dreg:$0x1]  }
0x3: {  	s2 =	rddreg [dreg:$0x2]  }
0x4: {  	s4 =	srdreg.scid;
	s12 =	stileid.u32  }
0x5: {  	s3 =	simm.s32 $0x0;
	s13 =	simm.s32 $0x1;
	s14 =	simm.s32 $0x4000  }
0x6: {  	s15 =	simm.s32 $0x2000;
	s4 =	sand.u32 $0x1, s4;
	s6 =	sshll.u32 s12, $0x1  }
0x7: {  	[smem:$0x7FF] =	sst s3;
	s5 =	sadd.s32 $0x1600, s2;
	p0 =	sgt.u32 s12, $0x9  }
0x8: {  	p1 =	sgt.u32 s12, $0xC;
	s7 =	ssub.s32 $0x2, s4;
	s4 =	sor.u32 s4, s6  }
0x9: {  	_ =	strace $0x80000047;
	s8 =	sshrl.u32 s7, $0x1;
	s9 =	smul.u32 $0xC3800, s4  }
0xa: {  	s29 =	sshll.u32 s4, $0xA;
	s10 =	sshll.u32 s4, $0x5;
	s28 =	ssub.s32 s7, s8  }
.Ltmp0:
0xb: {  	s7 =	sadd.s32 s1, s29;
	s8 =	sor.u32 $0x40, s4;
	(pc) =	sbr.rel .LBB2_1-.Ltmp0, $4  }
0xc: {  	v0 =	vlaneseq.u32;
	s0 =	sadd.s32 s0, s10;
	[dreg:$0x4] =	wrdreg s7;
	s9 =	sshrl.u32 s9, $0x3  }
0xd: {  	v1 =	vand.u32 $0x7, v0;
	[dreg:$0x5] =	wrdreg s0;
	s31 =	smax.u32 s28, $0x1;
	s11 =	sadd.s32 s5, s9  }
0xe: {  	v1 =	vmul.u32 $0x80, v1;
	s10 =	simm.s32 $0x0;
	[dreg:$0x7] =	wrdreg s31;
	s30 =	sadd.s32 $0x18680, s11  }
0xf: {  	v0 =	vshrl.u32 v0, $0x3;
	s7 =	sor.u32 $0xFFFFFFC0, s6;
	s9 =	sor.u32 $0xFFFFFFE0, s6;
	[dreg:$0x6] =	wrdreg s30  }
.LBB2_10:
0x10: {  	s0 =	simm.s32 $0x3  }
0x11: {  	_ =	swait.ge [sflag:s0], $0x2000  }
0x12: {  	[sflag:s0] =	ssyncset.done $0x0  }
0x13: {  	s10 =	rddreg [dreg:$0x8];
	[sflag:s0] =	ssyncadd.s32 $0xFFFFE000  }
.LBB2_12:
0x14: {  	s0 =	rddreg [dreg:$0x5];
	s2 =	simm.s32 $0x8000;
	s6 =	simm.s32 $0x4  }
0x15: {  	[tilespmem:s2], [sflag:$0x4] =	stream.linear.gather [hbm4b:s0+s3], $0x100, $0x38;
	[tilespmem:$0x8100] =	vst v63  }
0x16: {  	_ =	swait.ge [sflag:s6], $0x100  }
0x17: {  	[sflag:s6] =	ssyncset.done $0x0  }
0x18: {  	s31 =	rddreg [dreg:$0x6];
	[sflag:s6] =	ssyncadd.s32 $0xFFFFFF00  }
0x19: {  	[hbm4b:s31+s3] =	stream.linear.scatter [tilespmem:s2], [sflag:$0x4], $0x100, $0x38;
	[tilespmem:$0x8100] =	vst v63  }
0x1a: {  	_ =	swait.ge [sflag:s6], $0x100  }
0x1b: {  	[sflag:s6] =	ssyncset.done $0x0  }
0x1c: {  	[sflag:s6] =	ssyncadd.s32 $0xFFFFFF00  }
.LBB2_13:
0x1d: {  	s10 =	sadd.s32 $0x1, s10;
	s0 =	rddreg [dreg:$0x7]  }
0x1e: {  	p2 =	sne.s32 s10, s0  }
.Ltmp1:
0x1f: {  	_ = 	snop;
	(pc) =	sbr.rel @!p2 .LBB2_14-.Ltmp1, $1  }
0x20: {  	_ =	sdelay $0x3  }
.LBB2_1:
.Ltmp2:
0x21: {  	(pc) =	sbr.rel .LBB2_2-.Ltmp2, $4  }
0x22: {  	_ = 	snop  }
0x23: {  	[dreg:$0x8] =	wrdreg s10  }
0x24: {  	s0 =	rddreg [dreg:$0x4];
	s22 =	simm.s32 $0x0  }
0x25: {  	[tilespmem:s3], [sflag:$0x1] =	stream.linear.gather [hbm4b:s0+s3], $0x2000, $0x38;
	[tilespmem:$0x8100] =	vst v63  }
.LBB2_8:
0x26: {  	s22 =	sadd.s32 $0x1, s22  }
0x27: {  	p2 =	sne.s32 s22, $0x28  }
.Ltmp3:
0x28: {  	_ = 	snop;
	(pc) =	sbr.rel @!p2 .LBB2_9-.Ltmp3, $1  }
0x29: {  	_ =	sdelay $0x3  }
.LBB2_2:
0x2a: {  	s25 =	sshll.u32 s22, $0x6  }
0x2b: {  	s0 =	sor.u32 s4, s25  }
0x2c: {  	s2 =	sor.u32 $0x20, s0  }
0x2d: {  	s6 =	smin.u32 s2, $0x9F3  }
0x2e: {  	s11 =	simm.s32 $0x8;
	s12 =	simm.s32 $0x18;
	s23 =	smulhi.u32 $0x29CBC15, s6  }
0x2f: {  	_ =	swait.ge [sflag:s13], $0x2000;
	s20 =	simm.s32 $0x0;
	s21 =	simm.s32 $0x10  }
0x30: {  	s16 =	simm.s32 $0x12;
	s17 =	simm.s32 $0x1C;
	v2 =	vmov s11;
	v3 =	vor.u32 s11, v0;
	v4 =	vmov s12;
	s10 =	smul.u32 $0x62, s23  }
0x31: {  	s18 =	simm.s32 $0x1E;
	s19 =	simm.s32 $0x4;
	v5 =	vmov s20;
	v6 =	vor.u32 s12, v0;
	v7 =	vmov s21;
	p2 =	sgt.u32 s2, $0x9F3  }
0x32: {  	[sflag:s13] =	ssyncset.done $0x0;
	v8 =	vor.u32 s21, v0;
	v9 =	vmov s16;
	v12 =	vor.u32 s16, v0;
	s6 =	ssub.s32 s6, s10;
	s10 =	smul.u32 @!p2 $0x18700, s23  }
0x33: {  	s11 =	simm.s32 $0x2;
	v13 =	vmov s17;
	v14 =	vor.u32 s17, v0;
	v49 =	vmov s19;
	p3 =	seq.s32 s6, $0x61;
	s24 =	sshll.u32 s6, $0xA  }
0x34: {  	v51 =	vmov s18;
	v53 =	vor.u32 s18, v0;
	v55 =	vor.u32 s19, v0;
	[sflag:s13] =	ssyncadd.s32 $0xFFFFE000;
	s24 =	simm.s32 @p3 $0x18280;
	s6 =	sadd.s32 @!p2 s1, s10  }
0x35: {  	v4 =	vshll.u32 v4, $0x3;
	v6 =	vand.u32 $0x79, v6;
	v5 =	vshll.u32 v5, $0x3;
	s12 =	simm.s32 @!p2 $0x2000;
	s10 =	simm.s32 @!p2 $0x0;
	s6 =	sadd.s32 @!p2 s24, s6  }
0x36: {  	v2 =	vshll.u32 v2, $0x3;
	v7 =	vshll.u32 v7, $0x3;
	v4 =	vand.u32 $0x1C00, v4;
	[tilespmem:s12], [sflag:$0x1] =	stream.linear.gather @!p2 [hbm4b:s6+s10], $0x2000, $0x38;
	[tilespmem:$0x8100] =	vst v63  }
0x37: {  	v3 =	vand.u32 $0x69, v3;
	v10 =	vor.u32 s11, v0;
	v4 =	vor.u32 v6, v4;
	s10 =	sadd.s32 s7, s25  }
0x38: {  	v5 =	vand.u32 $0x1C00, v5;
	v6 =	vor.u32 s20, v0;
	v4 =	vor.u32 v1, v4;
	p3 =	sgt.u32 s10, $0x9F3  }
0x39: {  	s26 =	simm.s32 $0x1A;
	v2 =	vand.u32 $0x1C00, v2;
	v7 =	vand.u32 $0x1C00, v7;
	v6 =	vand.u32 $0x61, v6;
	s2 =	simm.s32 @!p3 $0x2  }
0x3a: {  	v5 =	vor.u32 v6, v5;
	v6 =	vand.u32 $0x71, v8;
	v8 =	vmov s26;
	_ =	swait.ge @!p3 [sflag:s2], $0x2000  }
0x3b: {  	v2 =	vor.u32 v3, v2;
	v3 =	vor.u32 s26, v0;
	v8 =	vshll.u32 v8, $0x3;
	[sflag:s2] =	ssyncset.done @!p3 $0x0  }
0x3c: {  	v3 =	vand.u32 $0x7B, v3;
	v6 =	vor.u32 v6, v7;
	v7 =	vand.u32 $0x7FFFFC00, v8;
	[sflag:s2] =	ssyncadd.s32 @!p3 $0xFFFFE000  }
0x3d: {  	v9 =	vshll.u32 v9, $0x3;
	v13 =	vshll.u32 v13, $0x3;
	v3 =	vor.u32 v3, v7;
	v4 =	vld.idx.msk [tilespmem:v4+s3+$0x0], $0xffff  }
0x3e: {  	s21 =	simm.s32 $0x14;
	s18 =	simm.s32 $0xE;
	v14 =	vand.u32 $0x7D, v14;
	v47 =	vand.u32 $0x7B, v12;
	v3 =	vor.u32 v1, v3  }
0x3f: {  	s17 =	simm.s32 $0x6;
	v52 =	vmov s21;
	v57 =	vor.u32 s21, v0;
	v59 =	vmov s18  }
0x40: {  	v61 =	vor.u32 s17, v0;
	v13 =	vand.u32 $0x7FFFFC00, v13;
	v5 =	vor.u32 v1, v5  }
0x41: {  	v10 =	vand.u32 $0x63, v10;
	v9 =	vand.u32 $0x7FFFFC00, v9;
	v2 =	vor.u32 v1, v2;
	s26 =	simm.s32 $0x4060  }
0x42: {  	v54 =	vshll.u32 v52, $0x3;
	v13 =	vor.u32 v14, v13;
	v6 =	vor.u32 v1, v6;
	[tilespmem:s26+$0x60] =	vst v4  }
0x43: {  	s20 =	simm.s32 $0xC;
	v14 =	vand.u32 $0x7F, v53;
	v48 =	vor.u32 v1, v13;
	v7 =	vmov s11;
	s12 =	simm.s32 $0xA;
	v3 =	vld.idx.msk [tilespmem:v3+s3+$0x0], $0xffff  }
0x44: {  	v50 =	vmov s20;
	v7 =	vshll.u32 v7, $0x3;
	v8 =	vmov s12  }
0x45: {  	v7 =	vand.u32 $0x1C00, v7;
	v11 =	vor.u32 s12, v0;
	v8 =	vshll.u32 v8, $0x3;
	v5 =	vld.idx.msk [tilespmem:v5+s3+$0x0], $0xffff  }
0x46: {  	s28 =	simm.s32 $0xC0;
	v7 =	vor.u32 v10, v7;
	v8 =	vand.u32 $0x1C00, v8;
	v2 =	vld.idx.msk [tilespmem:v2+s3+$0x0], $0xffff;
	v4 =	vand.u32 $0x6B, v11  }
0x47: {  	v7 =	vor.u32 v1, v7;
	s12 =	sor.u32 $0x50, s28;
	v6 =	vld.idx.msk [tilespmem:v6+s3+$0x0], $0xffff;
	v11 =	vshll.u32 v51, $0x3;
	v4 =	vor.u32 v4, v8  }
0x48: {  	v8 =	vor.u32 v47, v9;
	v11 =	vand.u32 $0x7FFFFC00, v11;
	v4 =	vor.u32 v1, v4;
	[tilespmem:s12+$0x4000] =	vst v3  }
0x49: {  	v56 =	vor.u32 s20, v0;
	v8 =	vor.u32 v1, v8;
	v11 =	vor.u32 v14, v11;
	v12 =	vld.idx.msk [tilespmem:v48+s3+$0x0], $0xffff  }
0x4a: {  	v58 =	vand.u32 $0x6D, v56;
	[tilespmem:s26+$0xFFFFFFA0] =	vst v5;
	v9 =	vshll.u32 v49, $0x3;
	v11 =	vor.u32 v1, v11  }
0x4b: {  	[tilespmem:s26+$0xFFFFFFE0] =	vst v2;
	v2 =	vand.u32 $0x65, v55;
	v5 =	vand.u32 $0x1C00, v9;
	v3 =	vshll.u32 v50, $0x3  }
0x4c: {  	v10 =	vand.u32 $0x7FFFFC00, v54;
	[tilespmem:s26+$0x20] =	vst v6;
	v6 =	vld.idx.msk [tilespmem:v7+s3+$0x0], $0xffff;
	v2 =	vor.u32 v2, v5;
	v3 =	vand.u32 $0x1C00, v3  }
0x4d: {  	s19 =	sor.u32 $0x60, s28;
	s16 =	smulhi.u32 $0x5397829D, s0;
	v5 =	vand.u32 $0x7D, v57;
	v2 =	vor.u32 v1, v2;
	v4 =	vld.idx.msk [tilespmem:v4+s3+$0x0], $0xffff;
	v3 =	vor.u32 v58, v3  }
0x4e: {  	v62 =	vor.u32 s18, v0;
	s20 =	simm.s32 $0x16;
	v5 =	vor.u32 v5, v10;
	v7 =	vld.idx.msk [tilespmem:v8+s3+$0x0], $0xffff;
	v3 =	vor.u32 v1, v3;
	[tilespmem:s19+$0x4000] =	vst v12  }
0x4f: {  	s29 =	sshrl.u32 s16, $0x5;
	v60 =	vmov s20;
	v10 =	vor.u32 v1, v5;
	v8 =	vmov s17;
	v11 =	vld.idx.msk [tilespmem:v11+s3+$0x0], $0xffff  }
0x50: {  	v63 =	vand.u32 $0x6F, v62;
	s2 =	smul.u32 $0x62, s29;
	v9 =	vshll.u32 v60, $0x3;
	v5 =	vshll.u32 v8, $0x3  }
0x51: {  	v9 =	vand.u32 $0x7FFFFC00, v9;
	[tilespmem:s26+$0xFFFFFFB0] =	vst v6;
	v8 =	vshll.u32 v59, $0x3;
	v5 =	vand.u32 $0x1C00, v5  }
0x52: {  	s0 =	ssub.s32 s0, s2;
	v6 =	vand.u32 $0x1C00, v8;
	v8 =	vor.u32 s20, v0;
	v2 =	vld.idx.msk [tilespmem:v2+s3+$0x0], $0xffff;
	[tilespmem:s26+$0xFFFFFFF0] =	vst v4;
	v4 =	vand.u32 $0x67, v61  }
0x53: {  	s21 =	sor.u32 $0x70, s28;
	p3 =	seq.s32 s0, $0x61;
	s30 =	sshll.u32 s0, $0xA;
	v6 =	vor.u32 v63, v6;
	[tilespmem:s26+$0x30] =	vst v7;
	v7 =	vand.u32 $0x7F, v8;
	v4 =	vor.u32 v4, v5;
	v3 =	vld.idx.msk [tilespmem:v3+s3+$0x0], $0xffff  }
0x54: {  	s31 =	simm.s32 $0x0;
	s0 =	simm.s32 $0x3E;
	s30 =	simm.s32 @p3 $0x18280;
	v7 =	vor.u32 v7, v9;
	v5 =	vor.u32 v1, v4;
	v4 =	vld.idx.msk [tilespmem:v10+s3+$0x0], $0xffff;
	[tilespmem:s21+$0x4000] =	vst v11  }
.LBB2_3:
0x55: {  	s2 =	sadd.s32 $0xFFFFFFEA, s0;
	s6 =	sadd.s32 $0xFFFFFFFA, s0;
	s31 =	sadd.s32 $0x4, s31;
	v6 =	vor.u32 v1, v6;
	v7 =	vor.u32 v1, v7  }
0x56: {  	s21 =	sadd.s32 $0xFFFFFFE2, s0;
	s16 =	sadd.s32 $0xFFFFFFF2, s0;
	v8 =	vmov s2;
	v9 =	vor.u32 s2, v0;
	v10 =	vmov s6;
	p3 =	slt.u32 s31, $0x7C  }
0x57: {  	s20 =	sadd.s32 $0xFFFFFFE4, s0;
	s12 =	sadd.s32 $0xFFFFFFEC, s0;
	s17 =	sadd.s32 $0xFFFFFFF4, s0;
	v11 =	vmov s21;
	v12 =	vor.u32 s6, v0;
	v10 =	vshll.u32 v10, $0x3  }
0x58: {  	s11 =	sadd.s32 $0xFFFFFFE6, s0;
	s10 =	sadd.s32 $0xFFFFFFF6, s0;
	s6 =	sadd.s32 $0xFFFFFFEE, s0;
	v13 =	vmov s16;
	v12 =	vand.u32 $0x79, v12;
	v10 =	vand.u32 $0x1C00, v10;
	[tilespmem:s26+$0xFFFFFFC0] =	vst v2  }
0x59: {  	s18 =	sadd.s32 $0xFFFFFFE8, s0;
	s19 =	sadd.s32 $0xFFFFFFF0, s0;
	s2 =	sadd.s32 $0xFFFFFFF8, s0;
	v8 =	vshll.u32 v8, $0x3;
	v2 =	vshll.u32 v11, $0x3;
	v10 =	vor.u32 v12, v10;
	v5 =	vld.idx.msk [tilespmem:v5+s3+$0x0], $0xffff;
	[tilespmem:s26+$0x0] =	vst v3  }
0x5a: {  	v11 =	vshll.u32 v13, $0x3;
	v3 =	vor.u32 s21, v0;
	v10 =	vor.u32 v1, v10;
	v6 =	vld.idx.msk [tilespmem:v6+s3+$0x0], $0xffff;
	[tilespmem:s26+$0x40] =	vst v4  }
0x5b: {  	v2 =	vand.u32 $0x1C00, v2;
	v4 =	vand.u32 $0x1C00, v8;
	v8 =	vor.u32 s16, v0;
	v7 =	vld.idx.msk [tilespmem:v7+s3+$0x0], $0xffff  }
0x5c: {  	v9 =	vand.u32 $0x69, v9;
	v11 =	vand.u32 $0x1C00, v11;
	v3 =	vand.u32 $0x61, v3;
	s16 =	sadd.s32 $0xFFFFFFFC, s0  }
0x5d: {  	v2 =	vor.u32 v3, v2;
	v3 =	vand.u32 $0x71, v8;
	v8 =	vmov s16  }
0x5e: {  	v4 =	vor.u32 v9, v4;
	v9 =	vor.u32 s16, v0;
	v8 =	vshll.u32 v8, $0x3  }
0x5f: {  	v3 =	vor.u32 v3, v11;
	v9 =	vand.u32 $0x7B, v9;
	v8 =	vand.u32 $0x7FFFFC00, v8;
	v10 =	vld.idx.msk [tilespmem:v10+s3+$0x0], $0xffff;
	[tilespmem:s26+$0xFFFFFFD0] =	vst v5  }
0x60: {  	v2 =	vor.u32 v1, v2;
	v4 =	vor.u32 v1, v4;
	v5 =	vor.u32 v9, v8;
	[tilespmem:s26+$0x10] =	vst v6  }
0x61: {  	v3 =	vor.u32 v1, v3;
	v6 =	vmov s20;
	v5 =	vor.u32 v1, v5;
	[tilespmem:s26+$0x50] =	vst v7  }
0x62: {  	v8 =	vmov s17;
	v6 =	vshll.u32 v6, $0x3;
	v7 =	vmov s12  }
0x63: {  	s16 =	sadd.s32 $0xFFFFFFFE, s0;
	v9 =	vor.u32 s20, v0;
	v8 =	vshll.u32 v8, $0x3;
	v7 =	vshll.u32 v7, $0x3  }
0x64: {  	v12 =	vor.u32 s17, v0;
	v11 =	vor.u32 s12, v0;
	v13 =	vmov s16;
	s26 =	sadd.s32 $0x100, s26  }
0x65: {  	v13 =	vshll.u32 v13, $0x3;
	v6 =	vand.u32 $0x1C00, v6;
	v2 =	vld.idx.msk [tilespmem:v2+s3+$0x0], $0xffff;
	[tilespmem:s26+$0x60] =	vst v10;
	v10 =	vor.u32 s16, v0  }
0x66: {  	v13 =	vand.u32 $0x7FFFFC00, v13;
	v7 =	vand.u32 $0x1C00, v7;
	v5 =	vld.idx.msk [tilespmem:v5+s3+$0x0], $0xffff;
	v10 =	vand.u32 $0x7D, v10  }
0x67: {  	v9 =	vand.u32 $0x63, v9;
	v8 =	vand.u32 $0x7FFFFC00, v8;
	v4 =	vld.idx.msk [tilespmem:v4+s3+$0x0], $0xffff;
	v10 =	vor.u32 v10, v13  }
0x68: {  	v12 =	vand.u32 $0x7B, v12;
	v11 =	vand.u32 $0x6B, v11;
	v3 =	vld.idx.msk [tilespmem:v3+s3+$0x0], $0xffff;
	v10 =	vor.u32 v1, v10  }
0x69: {  	v8 =	vor.u32 v12, v8;
	v6 =	vor.u32 v9, v6;
	v7 =	vor.u32 v11, v7  }
0x6a: {  	s28 =	sadd.s32 $0x100, s28;
	v8 =	vor.u32 v1, v8;
	v6 =	vor.u32 v1, v6;
	v7 =	vor.u32 v1, v7  }
0x6b: {  	s12 =	sor.u32 $0x50, s28;
	v9 =	vmov s6;
	v11 =	vmov s0;
	[tilespmem:s26+$0xFFFFFFA0] =	vst v2;
	v2 =	vmov s11  }
0x6c: {  	v12 =	vmov s10;
	v11 =	vshll.u32 v11, $0x3;
	[tilespmem:s12+$0x4000] =	vst v5;
	v5 =	vor.u32 s0, v0  }
0x6d: {  	v2 =	vshll.u32 v2, $0x3;
	[tilespmem:s26+$0xFFFFFFE0] =	vst v4;
	v4 =	vld.idx.msk [tilespmem:v10+s3+$0x0], $0xffff;
	v5 =	vand.u32 $0x7F, v5;
	v10 =	vand.u32 $0x7FFFFC00, v11  }
0x6e: {  	v9 =	vshll.u32 v9, $0x3;
	[tilespmem:s26+$0x20] =	vst v3;
	v3 =	vshll.u32 v12, $0x3;
	v5 =	vor.u32 v5, v10  }
0x6f: {  	v11 =	vor.u32 s6, v0;
	v10 =	vor.u32 s11, v0;
	v6 =	vld.idx.msk [tilespmem:v6+s3+$0x0], $0xffff;
	v5 =	vor.u32 v1, v5  }
0x70: {  	v9 =	vand.u32 $0x1C00, v9;
	v2 =	vand.u32 $0x1C00, v2;
	v12 =	vor.u32 s10, v0;
	v7 =	vld.idx.msk [tilespmem:v7+s3+$0x0], $0xffff  }
0x71: {  	v11 =	vand.u32 $0x6D, v11;
	v10 =	vand.u32 $0x65, v10;
	v3 =	vand.u32 $0x7FFFFC00, v3;
	v8 =	vld.idx.msk [tilespmem:v8+s3+$0x0], $0xffff  }
0x72: {  	s6 =	sor.u32 $0x60, s28;
	v9 =	vor.u32 v11, v9;
	v2 =	vor.u32 v10, v2;
	v10 =	vand.u32 $0x7D, v12  }
0x73: {  	v9 =	vor.u32 v1, v9;
	v2 =	vor.u32 v1, v2;
	v3 =	vor.u32 v10, v3;
	[tilespmem:s6+$0x4000] =	vst v4  }
0x74: {  	v10 =	vmov s19;
	v11 =	vor.u32 v1, v3;
	v4 =	vmov s18;
	v12 =	vld.idx.msk [tilespmem:v5+s3+$0x0], $0xffff  }
0x75: {  	v3 =	vshll.u32 v4, $0x3;
	v4 =	vshll.u32 v10, $0x3;
	v5 =	vmov s2;
	[tilespmem:s26+$0xFFFFFFB0] =	vst v6  }
.Ltmp4:
0x76: {  	v6 =	vor.u32 s18, v0;
	v5 =	vshll.u32 v5, $0x3;
	[tilespmem:s26+$0xFFFFFFF0] =	vst v7;
	v7 =	vor.u32 s19, v0;
	(pc) =	sbr.rel @p3 .LBB2_3-.Ltmp4, $4  }
0x77: {  	v3 =	vand.u32 $0x1C00, v3;
	v4 =	vand.u32 $0x1C00, v4;
	[tilespmem:s26+$0x30] =	vst v8;
	v8 =	vor.u32 s2, v0  }
0x78: {  	v6 =	vand.u32 $0x67, v6;
	v10 =	vand.u32 $0x7FFFFC00, v5;
	v7 =	vand.u32 $0x6F, v7;
	v2 =	vld.idx.msk [tilespmem:v2+s3+$0x0], $0xffff  }
0x79: {  	v5 =	vor.u32 v6, v3;
	s2 =	sor.u32 $0x70, s28;
	v6 =	vor.u32 v7, v4;
	v7 =	vand.u32 $0x7F, v8;
	v3 =	vld.idx.msk [tilespmem:v9+s3+$0x0], $0xffff  }
0x7a: {  	s0 =	sadd.s32 $0x20, s0;
	v5 =	vor.u32 v1, v5;
	v7 =	vor.u32 v7, v10;
	v4 =	vld.idx.msk [tilespmem:v11+s3+$0x0], $0xffff;
	[tilespmem:s2+$0x4000] =	vst v12  }
0x7b: {  	v6 =	vor.u32 v1, v6  }
0x7c: {  	v7 =	vor.u32 v1, v7;
	s0 =	sadd.s32 s8, s25  }
0x7d: {  	p3 =	sgt.u32 s0, $0x9F3  }
0x7e: {  	[tilespmem:s26+$0xFFFFFFC0] =	vst v2;
	s2 =	sand.u32 @!p3 $0xFFFE, s0  }
0x7f: {  	v2 =	vld.idx.msk [tilespmem:v5+s3+$0x0], $0xffff;
	[tilespmem:s26+$0x0] =	vst v3;
	s2 =	sshrl.u32 @!p3 s2, $0x1  }
0x80: {  	[tilespmem:s26+$0x40] =	vst v4;
	s2 =	smul.u32 @!p3 $0xA73, s2;
	v3 =	vld.idx.msk [tilespmem:v6+s3+$0x0], $0xffff  }
0x81: {  	v4 =	vld.idx.msk [tilespmem:v7+s3+$0x0], $0xffff  }
0x82: {  	s6 =	smul.u32 $0x18700, s29;
	s2 =	sshrl.u32 @!p3 s2, $0x11  }
0x83: {  	s10 =	smul.u32 @!p3 $0x62, s2  }
0x84: {  	[tilespmem:s26+$0xFFFFFFD0] =	vst v2  }
0x85: {  	s6 =	sadd.s32 s5, s6;
	s0 =	ssub.s32 @!p3 s0, s10;
	[tilespmem:s26+$0x10] =	vst v3  }
0x86: {  	s6 =	sadd.s32 s30, s6;
	[tilespmem:s26+$0x50] =	vst v4;
	s0 =	sand.u32 @!p3 $0xFFFF, s0  }
0x87: {  	[hbm4b:s6+s3] =	stream.linear.scatter [tilespmem:s14], [sflag:$0x2], $0x2000, $0x38;
	[tilespmem:$0x8100] =	vst v63  }
0x88: {  	p4 =	seq.s32 @!p3 s0, $0x61  }
0x89: {  	s2 =	smul.u32 @!p3 $0xC3800, s2;
	s0 =	sshll.u32 @!p3 s0, $0xD;
	p4 =	por !p4, p3  }
0x8a: {  	s6 =	simm.s32 @!p2 $0x1;
	s0 =	simm.s32 @!p4 $0xC1400  }
0x8b: {  	_ =	swait.ge @!p2 [sflag:s6], $0x2000;
	s0 =	sadd.s32 @!p3 s2, s0  }
0x8c: {  	s31 =	sadd.s32 s9, s25;
	[sflag:s6] =	ssyncset.done @!p2 $0x0;
	s0 =	sshrl.u32 @!p3 s0, $0x3  }
0x8d: {  	[sflag:s6] =	ssyncadd.s32 @!p2 $0xFFFFE000;
	s2 =	simm.s32 @!p3 $0x0;
	s0 =	sadd.s32 @!p3 s1, s0  }
0x8e: {  	[tilespmem:s2], [sflag:$0x1] =	stream.linear.gather @!p3 [hbm4b:s0+s2], $0x2000, $0x38;
	[tilespmem:$0x8100] =	vst v63  }
.Ltmp5:
0x8f: {  	p3 =	sgt.u32 s31, $0x9F3;
	(pc) =	sbr.rel @p2 .LBB2_8-.Ltmp5, $4  }
0x90: {  	s0 =	simm.s32 @!p3 $0x3  }
0x91: {  	_ =	swait.ge @!p3 [sflag:s0], $0x2000  }
0x92: {  	[sflag:s0] =	ssyncset.done @!p3 $0x0  }
0x93: {  	[sflag:s0] =	ssyncadd.s32 @!p3 $0xFFFFE000  }
0x94: {  	s0 =	simm.s32 $0x8;
	s2 =	simm.s32 $0x18  }
0x95: {  	s6 =	simm.s32 $0x0;
	s31 =	simm.s32 $0x10;
	v2 =	vmov s0;
	v3 =	vor.u32 s0, v0;
	v4 =	vmov s2  }
0x96: {  	s10 =	simm.s32 $0xA;
	s11 =	simm.s32 $0x12;
	v5 =	vmov s6;
	v6 =	vor.u32 s2, v0;
	v7 =	vmov s31  }
0x97: {  	s12 =	simm.s32 $0x1C;
	v8 =	vor.u32 s31, v0;
	v9 =	vmov s11;
	v11 =	vor.u32 s10, v0  }
0x98: {  	s16 =	simm.s32 $0x1E;
	s17 =	simm.s32 $0x4;
	s18 =	simm.s32 $0xC;
	v12 =	vor.u32 s11, v0;
	v13 =	vmov s12;
	v14 =	vor.u32 s12, v0  }
0x99: {  	v49 =	vmov s17;
	v50 =	vmov s18;
	v51 =	vmov s16  }
0x9a: {  	v53 =	vor.u32 s16, v0;
	v4 =	vshll.u32 v4, $0x3;
	v6 =	vand.u32 $0x79, v6  }
0x9b: {  	v5 =	vshll.u32 v5, $0x3;
	v2 =	vshll.u32 v2, $0x3;
	v4 =	vand.u32 $0x1C00, v4  }
0x9c: {  	v7 =	vshll.u32 v7, $0x3;
	v3 =	vand.u32 $0x69, v3;
	v4 =	vor.u32 v6, v4  }
0x9d: {  	v5 =	vand.u32 $0x1C00, v5;
	v6 =	vor.u32 s6, v0;
	v4 =	vor.u32 v1, v4  }
0x9e: {  	s2 =	simm.s32 $0x1A;
	v2 =	vand.u32 $0x1C00, v2;
	v7 =	vand.u32 $0x1C00, v7;
	v6 =	vand.u32 $0x61, v6  }
0x9f: {  	v5 =	vor.u32 v6, v5;
	v6 =	vand.u32 $0x71, v8;
	v8 =	vmov s2  }
0xa0: {  	v2 =	vor.u32 v3, v2;
	v3 =	vor.u32 s2, v0;
	v8 =	vshll.u32 v8, $0x3  }
0xa1: {  	v3 =	vand.u32 $0x7B, v3;
	v6 =	vor.u32 v6, v7;
	v7 =	vand.u32 $0x7FFFFC00, v8  }
0xa2: {  	s21 =	simm.s32 $0xE;
	s30 =	simm.s32 $0x16;
	v55 =	vor.u32 s17, v0;
	v56 =	vor.u32 s18, v0;
	v3 =	vor.u32 v3, v7;
	v4 =	vld.idx.msk [tilespmem:v4+s15+$0x0], $0xffff  }
0xa3: {  	v59 =	vmov s21;
	v60 =	vmov s30;
	v3 =	vor.u32 v1, v3  }
0xa4: {  	v9 =	vshll.u32 v9, $0x3;
	v13 =	vshll.u32 v13, $0x3;
	v14 =	vand.u32 $0x7D, v14  }
0xa5: {  	v47 =	vand.u32 $0x7B, v12;
	v58 =	vand.u32 $0x6D, v56;
	v2 =	vor.u32 v1, v2  }
0xa6: {  	s25 =	simm.s32 $0x6060;
	v13 =	vand.u32 $0x7FFFFC00, v13;
	v9 =	vand.u32 $0x7FFFFC00, v9;
	v5 =	vor.u32 v1, v5  }
0xa7: {  	s6 =	simm.s32 $0x2;
	v13 =	vor.u32 v14, v13;
	v14 =	vand.u32 $0x7F, v53;
	v6 =	vor.u32 v1, v6;
	[tilespmem:s25+$0x60] =	vst v4  }
0xa8: {  	v10 =	vor.u32 s6, v0;
	v48 =	vor.u32 v1, v13;
	v7 =	vmov s6;
	v3 =	vld.idx.msk [tilespmem:v3+s15+$0x0], $0xffff  }
0xa9: {  	v10 =	vand.u32 $0x63, v10;
	v8 =	vmov s10;
	s10 =	simm.s32 $0x14;
	v7 =	vshll.u32 v7, $0x3  }
0xaa: {  	v8 =	vshll.u32 v8, $0x3;
	v52 =	vmov s10;
	v2 =	vld.idx.msk [tilespmem:v2+s15+$0x0], $0xffff;
	v7 =	vand.u32 $0x1C00, v7  }
0xab: {  	s26 =	simm.s32 $0xC0;
	v8 =	vand.u32 $0x1C00, v8;
	v7 =	vor.u32 v10, v7;
	v5 =	vld.idx.msk [tilespmem:v5+s15+$0x0], $0xffff;
	v4 =	vand.u32 $0x6B, v11  }
0xac: {  	s19 =	sor.u32 $0x50, s26;
	v7 =	vor.u32 v1, v7;
	v6 =	vld.idx.msk [tilespmem:v6+s15+$0x0], $0xffff;
	v11 =	vshll.u32 v51, $0x3;
	v4 =	vor.u32 v4, v8  }
0xad: {  	v8 =	vor.u32 v47, v9;
	v11 =	vand.u32 $0x7FFFFC00, v11;
	v4 =	vor.u32 v1, v4;
	[tilespmem:s19+$0x6000] =	vst v3  }
0xae: {  	v57 =	vor.u32 s10, v0;
	v8 =	vor.u32 v1, v8;
	v11 =	vor.u32 v14, v11;
	v12 =	vld.idx.msk [tilespmem:v48+s15+$0x0], $0xffff  }
0xaf: {  	v54 =	vshll.u32 v52, $0x3;
	[tilespmem:s25+$0xFFFFFFE0] =	vst v2;
	v9 =	vshll.u32 v49, $0x3;
	v11 =	vor.u32 v1, v11  }
0xb0: {  	v2 =	vand.u32 $0x65, v55;
	[tilespmem:s25+$0xFFFFFFA0] =	vst v5;
	v5 =	vand.u32 $0x1C00, v9;
	v3 =	vshll.u32 v50, $0x3  }
0xb1: {  	v10 =	vand.u32 $0x7FFFFC00, v54;
	[tilespmem:s25+$0x20] =	vst v6;
	v6 =	vld.idx.msk [tilespmem:v7+s15+$0x0], $0xffff;
	v2 =	vor.u32 v2, v5;
	v3 =	vand.u32 $0x1C00, v3  }
0xb2: {  	s20 =	simm.s32 $0x6;
	s29 =	sor.u32 $0x60, s26;
	v5 =	vand.u32 $0x7D, v57;
	v2 =	vor.u32 v1, v2;
	v4 =	vld.idx.msk [tilespmem:v4+s15+$0x0], $0xffff;
	v3 =	vor.u32 v58, v3  }
0xb3: {  	v61 =	vor.u32 s20, v0;
	v5 =	vor.u32 v5, v10;
	v7 =	vld.idx.msk [tilespmem:v8+s15+$0x0], $0xffff;
	v3 =	vor.u32 v1, v3;
	[tilespmem:s29+$0x6000] =	vst v12  }
0xb4: {  	v62 =	vor.u32 s21, v0;
	v10 =	vor.u32 v1, v5;
	v8 =	vmov s20;
	v11 =	vld.idx.msk [tilespmem:v11+s15+$0x0], $0xffff  }
0xb5: {  	v63 =	vand.u32 $0x6F, v62;
	v9 =	vshll.u32 v60, $0x3;
	v5 =	vshll.u32 v8, $0x3  }
0xb6: {  	v9 =	vand.u32 $0x7FFFFC00, v9;
	v8 =	vshll.u32 v59, $0x3;
	[tilespmem:s25+$0xFFFFFFB0] =	vst v6;
	v5 =	vand.u32 $0x1C00, v5  }
0xb7: {  	v6 =	vand.u32 $0x1C00, v8;
	v8 =	vor.u32 s30, v0;
	v2 =	vld.idx.msk [tilespmem:v2+s15+$0x0], $0xffff;
	[tilespmem:s25+$0xFFFFFFF0] =	vst v4;
	v4 =	vand.u32 $0x67, v61  }
0xb8: {  	s31 =	sor.u32 $0x70, s26;
	v6 =	vor.u32 v63, v6;
	[tilespmem:s25+$0x30] =	vst v7;
	v7 =	vand.u32 $0x7F, v8;
	v4 =	vor.u32 v4, v5;
	v3 =	vld.idx.msk [tilespmem:v3+s15+$0x0], $0xffff  }
0xb9: {  	s28 =	simm.s32 $0x0;
	s0 =	simm.s32 $0x3E;
	v7 =	vor.u32 v7, v9;
	v5 =	vor.u32 v1, v4;
	v4 =	vld.idx.msk [tilespmem:v10+s15+$0x0], $0xffff;
	[tilespmem:s31+$0x6000] =	vst v11  }
.LBB2_6:
0xba: {  	s2 =	sadd.s32 $0xFFFFFFEA, s0;
	s6 =	sadd.s32 $0xFFFFFFFA, s0;
	s28 =	sadd.s32 $0x4, s28;
	v6 =	vor.u32 v1, v6;
	v7 =	vor.u32 v1, v7  }
0xbb: {  	s16 =	sadd.s32 $0xFFFFFFE2, s0;
	s21 =	sadd.s32 $0xFFFFFFF2, s0;
	v8 =	vmov s2;
	v9 =	vor.u32 s2, v0;
	v10 =	vmov s6;
	p2 =	slt.u32 s28, $0x7C  }
0xbc: {  	s20 =	sadd.s32 $0xFFFFFFE4, s0;
	s12 =	sadd.s32 $0xFFFFFFEC, s0;
	s17 =	sadd.s32 $0xFFFFFFF4, s0;
	v11 =	vmov s16;
	v12 =	vor.u32 s6, v0;
	v10 =	vshll.u32 v10, $0x3  }
0xbd: {  	s11 =	sadd.s32 $0xFFFFFFEE, s0;
	s10 =	sadd.s32 $0xFFFFFFF6, s0;
	s6 =	sadd.s32 $0xFFFFFFE6, s0;
	v13 =	vmov s21;
	v12 =	vand.u32 $0x79, v12;
	v10 =	vand.u32 $0x1C00, v10;
	[tilespmem:s25+$0xFFFFFFC0] =	vst v2  }
0xbe: {  	s18 =	sadd.s32 $0xFFFFFFE8, s0;
	s19 =	sadd.s32 $0xFFFFFFF0, s0;
	s2 =	sadd.s32 $0xFFFFFFF8, s0;
	v8 =	vshll.u32 v8, $0x3;
	v2 =	vshll.u32 v11, $0x3;
	v10 =	vor.u32 v12, v10;
	v5 =	vld.idx.msk [tilespmem:v5+s15+$0x0], $0xffff;
	[tilespmem:s25+$0x0] =	vst v3  }
0xbf: {  	v11 =	vshll.u32 v13, $0x3;
	v3 =	vor.u32 s16, v0;
	v10 =	vor.u32 v1, v10;
	v6 =	vld.idx.msk [tilespmem:v6+s15+$0x0], $0xffff;
	[tilespmem:s25+$0x40] =	vst v4  }
0xc0: {  	v2 =	vand.u32 $0x1C00, v2;
	v4 =	vand.u32 $0x1C00, v8;
	v8 =	vor.u32 s21, v0;
	v7 =	vld.idx.msk [tilespmem:v7+s15+$0x0], $0xffff  }
0xc1: {  	v9 =	vand.u32 $0x69, v9;
	v11 =	vand.u32 $0x1C00, v11;
	s16 =	sadd.s32 $0xFFFFFFFC, s0;
	v3 =	vand.u32 $0x61, v3  }
0xc2: {  	v2 =	vor.u32 v3, v2;
	v3 =	vand.u32 $0x71, v8;
	v8 =	vmov s16  }
0xc3: {  	v4 =	vor.u32 v9, v4;
	v9 =	vor.u32 s16, v0;
	v8 =	vshll.u32 v8, $0x3  }
0xc4: {  	v3 =	vor.u32 v3, v11;
	v9 =	vand.u32 $0x7B, v9;
	v8 =	vand.u32 $0x7FFFFC00, v8;
	v10 =	vld.idx.msk [tilespmem:v10+s15+$0x0], $0xffff;
	[tilespmem:s25+$0xFFFFFFD0] =	vst v5  }
0xc5: {  	v2 =	vor.u32 v1, v2;
	v4 =	vor.u32 v1, v4;
	v5 =	vor.u32 v9, v8;
	[tilespmem:s25+$0x10] =	vst v6  }
0xc6: {  	v3 =	vor.u32 v1, v3;
	v6 =	vmov s20;
	v5 =	vor.u32 v1, v5;
	[tilespmem:s25+$0x50] =	vst v7  }
0xc7: {  	v8 =	vmov s17;
	v6 =	vshll.u32 v6, $0x3;
	v7 =	vmov s12  }
0xc8: {  	s16 =	sadd.s32 $0xFFFFFFFE, s0;
	v9 =	vor.u32 s20, v0;
	v8 =	vshll.u32 v8, $0x3;
	v7 =	vshll.u32 v7, $0x3  }
0xc9: {  	v12 =	vor.u32 s17, v0;
	v11 =	vor.u32 s12, v0;
	v13 =	vmov s16;
	s25 =	sadd.s32 $0x100, s25  }
0xca: {  	v13 =	vshll.u32 v13, $0x3;
	v6 =	vand.u32 $0x1C00, v6;
	v2 =	vld.idx.msk [tilespmem:v2+s15+$0x0], $0xffff;
	[tilespmem:s25+$0x60] =	vst v10;
	v10 =	vor.u32 s16, v0  }
0xcb: {  	v13 =	vand.u32 $0x7FFFFC00, v13;
	v7 =	vand.u32 $0x1C00, v7;
	v5 =	vld.idx.msk [tilespmem:v5+s15+$0x0], $0xffff;
	v10 =	vand.u32 $0x7D, v10  }
0xcc: {  	v9 =	vand.u32 $0x63, v9;
	v8 =	vand.u32 $0x7FFFFC00, v8;
	v4 =	vld.idx.msk [tilespmem:v4+s15+$0x0], $0xffff;
	v10 =	vor.u32 v10, v13  }
0xcd: {  	v12 =	vand.u32 $0x7B, v12;
	v11 =	vand.u32 $0x6B, v11;
	v3 =	vld.idx.msk [tilespmem:v3+s15+$0x0], $0xffff;
	v10 =	vor.u32 v1, v10  }
0xce: {  	v8 =	vor.u32 v12, v8;
	v6 =	vor.u32 v9, v6;
	v7 =	vor.u32 v11, v7  }
0xcf: {  	s26 =	sadd.s32 $0x100, s26;
	v8 =	vor.u32 v1, v8;
	v6 =	vor.u32 v1, v6;
	v7 =	vor.u32 v1, v7  }
0xd0: {  	s12 =	sor.u32 $0x50, s26;
	v9 =	vmov s11;
	v11 =	vmov s0;
	[tilespmem:s25+$0xFFFFFFA0] =	vst v2;
	v2 =	vmov s6  }
0xd1: {  	v12 =	vmov s10;
	v11 =	vshll.u32 v11, $0x3;
	[tilespmem:s12+$0x6000] =	vst v5;
	v5 =	vor.u32 s0, v0  }
0xd2: {  	v2 =	vshll.u32 v2, $0x3;
	[tilespmem:s25+$0xFFFFFFE0] =	vst v4;
	v4 =	vld.idx.msk [tilespmem:v10+s15+$0x0], $0xffff;
	v5 =	vand.u32 $0x7F, v5;
	v10 =	vand.u32 $0x7FFFFC00, v11  }
0xd3: {  	v9 =	vshll.u32 v9, $0x3;
	[tilespmem:s25+$0x20] =	vst v3;
	v3 =	vshll.u32 v12, $0x3;
	v5 =	vor.u32 v5, v10  }
0xd4: {  	v11 =	vor.u32 s11, v0;
	v10 =	vor.u32 s6, v0;
	v6 =	vld.idx.msk [tilespmem:v6+s15+$0x0], $0xffff;
	v5 =	vor.u32 v1, v5  }
0xd5: {  	v9 =	vand.u32 $0x1C00, v9;
	v2 =	vand.u32 $0x1C00, v2;
	v12 =	vor.u32 s10, v0;
	v7 =	vld.idx.msk [tilespmem:v7+s15+$0x0], $0xffff  }
0xd6: {  	v11 =	vand.u32 $0x6D, v11;
	v10 =	vand.u32 $0x65, v10;
	v3 =	vand.u32 $0x7FFFFC00, v3;
	v8 =	vld.idx.msk [tilespmem:v8+s15+$0x0], $0xffff  }
0xd7: {  	s6 =	sor.u32 $0x60, s26;
	v9 =	vor.u32 v11, v9;
	v2 =	vor.u32 v10, v2;
	v10 =	vand.u32 $0x7D, v12  }
0xd8: {  	v9 =	vor.u32 v1, v9;
	v2 =	vor.u32 v1, v2;
	v3 =	vor.u32 v10, v3;
	[tilespmem:s6+$0x6000] =	vst v4  }
0xd9: {  	v10 =	vmov s19;
	v11 =	vor.u32 v1, v3;
	v4 =	vmov s18;
	v12 =	vld.idx.msk [tilespmem:v5+s15+$0x0], $0xffff  }
0xda: {  	v3 =	vshll.u32 v4, $0x3;
	v4 =	vshll.u32 v10, $0x3;
	v5 =	vmov s2;
	[tilespmem:s25+$0xFFFFFFB0] =	vst v6  }
.Ltmp6:
0xdb: {  	v6 =	vor.u32 s18, v0;
	v5 =	vshll.u32 v5, $0x3;
	[tilespmem:s25+$0xFFFFFFF0] =	vst v7;
	v7 =	vor.u32 s19, v0;
	(pc) =	sbr.rel @p2 .LBB2_6-.Ltmp6, $4  }
0xdc: {  	v3 =	vand.u32 $0x1C00, v3;
	v4 =	vand.u32 $0x1C00, v4;
	[tilespmem:s25+$0x30] =	vst v8;
	v8 =	vor.u32 s2, v0  }
0xdd: {  	v6 =	vand.u32 $0x67, v6;
	v10 =	vand.u32 $0x7FFFFC00, v5;
	v7 =	vand.u32 $0x6F, v7;
	v2 =	vld.idx.msk [tilespmem:v2+s15+$0x0], $0xffff  }
0xde: {  	v5 =	vor.u32 v6, v3;
	s2 =	sor.u32 $0x70, s26;
	v6 =	vor.u32 v7, v4;
	v7 =	vand.u32 $0x7F, v8;
	v3 =	vld.idx.msk [tilespmem:v9+s15+$0x0], $0xffff  }
0xdf: {  	s0 =	sadd.s32 $0x20, s0;
	v5 =	vor.u32 v1, v5;
	v7 =	vor.u32 v7, v10;
	v4 =	vld.idx.msk [tilespmem:v11+s15+$0x0], $0xffff;
	[tilespmem:s2+$0x6000] =	vst v12  }
0xe0: {  	v6 =	vor.u32 v1, v6  }
0xe1: {  	v7 =	vor.u32 v1, v7;
	_ =	sdelay $0x1  }
0xe2: {  	[tilespmem:s25+$0xFFFFFFC0] =	vst v2  }
0xe3: {  	v2 =	vld.idx.msk [tilespmem:v5+s15+$0x0], $0xffff;
	[tilespmem:s25+$0x0] =	vst v3  }
0xe4: {  	[tilespmem:s25+$0x40] =	vst v4;
	v3 =	vld.idx.msk [tilespmem:v6+s15+$0x0], $0xffff  }
0xe5: {  	v4 =	vld.idx.msk [tilespmem:v7+s15+$0x0], $0xffff  }
0xe6: {  	s0 =	smul.u32 $0x18700, s23  }
.Ltmp7:
0xe7: {  	_ = 	snop;
	(pc) =	sbr.rel .LBB2_8-.Ltmp7, $4  }
0xe8: {  	[tilespmem:s25+$0xFFFFFFD0] =	vst v2  }
0xe9: {  	s0 =	sadd.s32 s5, s0;
	[tilespmem:s25+$0x10] =	vst v3  }
0xea: {  	s2 =	simm.s32 $0x6000;
	s0 =	sadd.s32 s24, s0;
	[tilespmem:s25+$0x50] =	vst v4  }
0xeb: {  	[hbm4b:s0+s3] =	stream.linear.scatter [tilespmem:s2], [sflag:$0x3], $0x2000, $0x38;
	[tilespmem:$0x8100] =	vst v63  }
.LBB2_9:
.Ltmp8:
0xec: {  	(pc) =	sbr.rel @!p0 .LBB2_10-.Ltmp8, $4  }
0xed: {  	s0 =	simm.s32 $0x2  }
0xee: {  	_ =	swait.ge [sflag:s0], $0x2000  }
0xef: {  	[sflag:s0] =	ssyncset.done $0x0  }
0xf0: {  	[sflag:s0] =	ssyncadd.s32 $0xFFFFE000  }
.Ltmp9:
0xf1: {  	(pc) =	sbr.rel @p1 .LBB2_13-.Ltmp9, $4  }
.Ltmp10:
0xf2: {  	(pc) =	sbr.rel @!p1 .LBB2_12-.Ltmp10, $4  }
0xf3: {  	_ = 	snop  }
0xf4: {  	_ = 	snop  }
0xf5: {  	s10 =	rddreg [dreg:$0x8]  }
0xf6: {  	_ = 	snop  }
.LBB2_14:
0xf7: {  	_ =	sfence.sel $0x180000  }
0xf8: {  	[bflag:$0x0] =	sbarrier.arrive $0xFFFF  }
0xf9: {  	_ =	strace $0x90000047  }
0xfa: {  	s0 =	stileid.u32;
	[bflag:$0x2] =	sbarrier.arrive $0xFFFF  }
0xfb: {  	p0 =	sne.s32 s0, $0x0;
	s0 =	rddreg [dreg:$0x3]  }
0xfc: {  	s0 =	sadd.s32 @!p0 $0x100000, s0  }
0xfd: {  	[sflag:s0] =	ssyncadd.tile.s32 @!p0 $0x1;
	_ =	shalt  }
.Lfunc_end2:
_tile_overlayer_lowered:
.L_overlay_start_2:
0xfe: {  	(tag) =	ssettag $0x2  }
0xff: {  	s0 =	rddreg [dreg:$0x0];
	s2 =	stileid.u32  }
0x100: {  	s1 =	rddreg [dreg:$0x1];
	p0 =	sne.s32 s2, $0x0  }
0x101: {  	s3 =	rddreg [dreg:$0x2];
	[bflag:$0x3] =	sbarrier.arrive $0xFFFF;
	s2 =	simm.s32 @!p0 $0x1C04  }
0x102: {  	[timem:s3], [sflag:s2] =	dma.local @!p0 [hbm:s0], s1  }
0x103: {  	s0 =	simm.s32 @!p0 $0x4  }
0x104: {  	_ =	swait.ge @!p0 [sflag:s0], s1  }
0x105: {  	s1 =	ssub.s32 @!p0 $0x0, s1;
	[sflag:s0] =	ssyncset.done @!p0 $0x0  }
0x106: {  	[sflag:s0] =	ssyncadd.s32 @!p0 s1  }
0x107: {  	[bflag:$0x3] =	sbarrier.arrive $0xFFFF  }
0x108: {  	_ =	shalt  }

// kernel: kernel.8.cloned.1.call-start
scs
__scs_entry_jumppad:
0x0: {  	(pc) =	sbr.rel $0x88, $3  }
0x1: {  	(tag) =	ssettag $0x0;
	lr =	simm.s32 $0x1  }
0x2: {  	[smem:$0x3F98] =	sst lr;
	_ =	strace $0xD0000000  }
0x3: {  	_ = 	snop  }
0x4: {  	_ = 	snop  }
0x5: {  	_ = 	snop  }
0x6: {  	_ = 	snop  }
0x7: {  	_ = 	snop  }
__scs_overlays_trampoline_lowered:
0x8: {  	[smem:$0x3FA7] =	sst s0  }
0x9: {  	[smem:$0x3FA8] =	sst s1  }
0xa: {  	[smem:$0x3FA9] =	sst s2  }
0xb: {  	[smem:$0x3FAA] =	sst s3  }
0xc: {  	[smem:$0x3FAB] =	sst s4  }
0xd: {  	[smem:$0x3FAC] =	sst s5  }
0xe: {  	[smem:$0x3FAD] =	sst s6  }
0xf: {  	[smem:$0x3FAE] =	sst s7  }
0x10: {  	[smem:$0x3FAF] =	sst s8  }
0x11: {  	[smem:$0x3FB0] =	sst s9;
	s0 =	simm.s32 @!p0 $0x0  }
0x12: {  	s1 =	sld [smem:$0x3F96];
	s0 =	simm.s32 @p0 $0x1  }
0x13: {  	[smem:$0x3FB1] =	sst s0;
	s0 =	simm.s32 @!p1 $0x0  }
0x14: {  	s2 =	sld [smem:$0x3F95];
	s0 =	simm.s32 @p1 $0x1  }
0x15: {  	[smem:$0x3FB2] =	sst s0;
	s0 =	simm.s32 @!p2 $0x0  }
0x16: {  	s3 =	sld [smem:$0x3FDB];
	s0 =	simm.s32 @p2 $0x1  }
0x17: {  	s4 =	simm.s32 $0x1BF5;
	[smem:$0x3FB4] =	sst s0  }
0x18: {  	s0 =	sld [smem:$0x3F97];
	_ =	swait.ge [sflag:s4], $0x0  }
0x19: {  	s7 =	sld [smem:$0x3F98]  }
0x1a: {  	s8 =	sadd.s32 $0xFFFFE003, lr  }
0x1b: {  	s9 =	sadd.s32 $0xFFFFFEF7, lr;
	s5 =	simm.s32 $0xFFFFFFFF;
	p2 =	slt.u32 s8, $0xFFFFF086  }
0x1c: {  	p1 =	slt.u32 s9, $0xF7A;
	s5 =	simm.s32 @!p2 $0x0  }
0x1d: {  	s5 =	simm.s32 @p1 $0x1;
	p0 =	seq.s32 s7, s2  }
0x1e: {  	s7 =	smul.u32 @!p0 $0xF7A, s2;
	p2 =	seq.s32 @!p0 s5, $0x0  }
0x1f: {  	s9 =	smul.u32 $0xF7A, s1;
	s8 =	simm.s32 @!p0 $0x1BF5;
	p2 =	por !p2, p0  }
0x20: {  	[sflag:s8] =	ssyncset.s32 @!p0 $0xFFFFF086;
	s6 =	sadd.s32 @!p0 s3, s7;
	s7 =	simm.s32 @!p0 $0x108  }
0x21: {  	s3 =	sadd.s32 s3, s9;
	s6 =	sadd.s32 @!p0 $0x88, s6;
	s7 =	simm.s32 @p2 $0x1082  }
0x22: {  	[simem:s7], [sflag:s8] =	dma.local @!p0 [hbm:s6], $0xF7A  }
0x23: {  	s9 =	sor.u32 $0xD0000000, s2;
	s6 =	simm.s32 $0x108;
	_ =	swait.ge @!p0 [sflag:s8], $0x0  }
0x24: {  	s3 =	sadd.s32 $0x88, s3;
	s6 =	simm.s32 @!p1 $0x1082;
	[sflag:s4] =	ssyncset.s32 $0xFFFFF086  }
0x25: {  	[simem:s6], [sflag:s4] =	dma.local [hbm:s3], $0xF7A  }
0x26: {  	[smem:$0x3F98] =	sst s1;
	(tag) =	ssettag s2;
	_ =	strace s9  }
0x27: {  	s1 =	sld [smem:$0x3FA8]  }
0x28: {  	s2 =	sld [smem:$0x3FA9]  }
0x29: {  	s4 =	sld [smem:$0x3FAB]  }
0x2a: {  	p0 =	seq.s32 s5, $0x0;
	s5 =	sld [smem:$0x3FAC]  }
0x2b: {  	s6 =	sld [smem:$0x3FAD]  }
0x2c: {  	s7 =	sld [smem:$0x3FAE]  }
0x2d: {  	s3 =	simm.s32 $0x108;
	s8 =	sld [smem:$0x3FAF]  }
0x2e: {  	s3 =	simm.s32 @!p0 $0x1082;
	s9 =	sld [smem:$0x3FB0]  }
0x2f: {  	lr =	sadd.s32 s0, s3;
	s0 =	sld [smem:$0x3FA7]  }
0x30: {  	s3 =	sld [smem:$0x3FAA]  }
0x31: {  	[smem:$0x3FB3] =	sst s10  }
0x32: {  	s10 =	sld [smem:$0x3FB1];
	_ =	sdelay $0x3  }
0x33: {  	p0 =	seq.s32 s10, $0x1;
	s10 =	sld [smem:$0x3FB3];
	_ =	sdelay $0x3  }
0x34: {  	[smem:$0x3FB3] =	sst s10  }
0x35: {  	s10 =	sld [smem:$0x3FB2];
	_ =	sdelay $0x3  }
0x36: {  	p1 =	seq.s32 s10, $0x1;
	s10 =	sld [smem:$0x3FB3];
	_ =	sdelay $0x3  }
0x37: {  	[smem:$0x3FB3] =	sst s10  }
0x38: {  	s10 =	sld [smem:$0x3FB4]  }
0x39: {  	_ = 	snop;
	(pc) =	sbr.ind lr, $3  }
0x3a: {  	_ = 	snop  }
0x3b: {  	_ = 	snop  }
0x3c: {  	p2 =	seq.s32 s10, $0x1;
	s10 =	sld [smem:$0x3FB3]  }
0x3d: {  	_ =	shalt  }
0x3e: {  	_ =	shalt  }
0x3f: {  	_ =	shalt  }
0x40: {  	_ =	shalt  }
0x41: {  	_ =	shalt  }
0x42: {  	_ =	shalt  }
0x43: {  	_ =	shalt  }
0x44: {  	_ =	shalt  }
0x45: {  	_ =	shalt  }
0x46: {  	_ =	shalt  }
0x47: {  	_ =	shalt  }
0x48: {  	_ =	shalt  }
0x49: {  	_ =	shalt  }
0x4a: {  	_ =	shalt  }
0x4b: {  	_ =	shalt  }
0x4c: {  	_ =	shalt  }
0x4d: {  	_ =	shalt  }
0x4e: {  	_ =	shalt  }
0x4f: {  	_ =	shalt  }
0x50: {  	_ =	shalt  }
0x51: {  	_ =	shalt  }
0x52: {  	_ =	shalt  }
0x53: {  	_ =	shalt  }
0x54: {  	_ =	shalt  }
0x55: {  	_ =	shalt  }
0x56: {  	_ =	shalt  }
0x57: {  	_ =	shalt  }
0x58: {  	_ =	shalt  }
0x59: {  	_ =	shalt  }
0x5a: {  	_ =	shalt  }
0x5b: {  	_ =	shalt  }
0x5c: {  	_ =	shalt  }
0x5d: {  	_ =	shalt  }
0x5e: {  	_ =	shalt  }
0x5f: {  	_ =	shalt  }
0x60: {  	_ =	shalt  }
0x61: {  	_ =	shalt  }
0x62: {  	_ =	shalt  }
0x63: {  	_ =	shalt  }
0x64: {  	_ =	shalt  }
0x65: {  	_ =	shalt  }
0x66: {  	_ =	shalt  }
0x67: {  	_ =	shalt  }
0x68: {  	_ =	shalt  }
0x69: {  	_ =	shalt  }
0x6a: {  	_ =	shalt  }
0x6b: {  	_ =	shalt  }
0x6c: {  	_ =	shalt  }
0x6d: {  	_ =	shalt  }
0x6e: {  	_ =	shalt  }
0x6f: {  	_ =	shalt  }
0x70: {  	_ =	shalt  }
0x71: {  	_ =	shalt  }
0x72: {  	_ =	shalt  }
0x73: {  	_ =	shalt  }
0x74: {  	_ =	shalt  }
0x75: {  	_ =	shalt  }
0x76: {  	_ =	shalt  }
0x77: {  	_ =	shalt  }
0x78: {  	_ =	shalt  }
0x79: {  	_ =	shalt  }
0x7a: {  	_ =	shalt  }
0x7b: {  	_ =	shalt  }
0x7c: {  	_ =	shalt  }
0x7d: {  	_ =	shalt  }
0x7e: {  	_ =	shalt  }
0x7f: {  	_ =	shalt  }
0x80: {  	_ =	shalt  }
0x81: {  	_ =	shalt  }
0x82: {  	_ =	shalt  }
0x83: {  	_ =	shalt  }
0x84: {  	_ =	shalt  }
0x85: {  	_ =	shalt  }
0x86: {  	_ =	shalt  }
0x87: {  	_ =	shalt  }
.Lfunc_end0:
.L_simem_size_0:
called_computation.1_lowered:
.L_overlay_start_0:
0x88: {  	s2 =	sld [smem:$0x3FD9]  }
0x89: {  	s3 =	sld [smem:$0x3FFE];
	_ =	sdelay $0x1  }
0x8a: {  	s1 =	srdreg.scid  }
0x8b: {  	s0 =	sand.u32 $0x1, s1  }
0x8c: {  	s16 =	sshll.u32 s0, $0xA;
	s2 =	sadd.s32 s3, s2  }
0x8d: {  	s2 =	sadd.s32 s2, s16  }
0x8e: {  	[smem:$0x3FBF] =	sst s2  }
0x8f: {  	_ = 	snop  }
0x90: {  	(tm) =	ssettm $0x1  }
0x91: {  	s17 =	sld [smem:$0x3FFB];
	_ =	sdelay $0x3  }
0x92: {  	_ =	strace s17  }
0x93: {  	s2 =	sld [smem:$0x3FFC];
	_ =	sdelay $0x3  }
0x94: {  	_ =	strace s2  }
0x95: {  	s2 =	sld [smem:$0x3FFD];
	_ =	sdelay $0x3  }
0x96: {  	_ =	strace s2  }
0x97: {  	_ =	strace $0x8FFFFFFF  }
0x98: {  	s18 =	sld [smem:$0x3FDB];
	_ =	sdelay $0x1  }
0x99: {  	s19 =	simm.s32 $_scs_section_size  }
0x9a: {  	s4 =	simm.s32 $_size__tile_overlayer_lowered;
	s5 =	simm.s32 $_tile_overlayer_lowered  }
0x9b: {  	s22 =	simm.s32 $0x1BFF;
	s21 =	sshll.u32 s5, $0x1;
	s2 =	sadd.s32 s19, s18  }
0x9c: {  	s6 =	simm.s32 $0x0;
	s20 =	sshll.u32 s4, $0x1;
	s4 =	sadd.s32 s21, s2  }
0x9d: {  	[timem:s6], [sflag:s22] =	dma.local [hbm:s4], s20  }
0x9e: {  	_ =	swait.ge [sflag:s22], s20  }
0x9f: {  	s3 =	ssub.s32 $0x0, s20;
	[sflag:s22] =	ssyncset.done $0x0  }
0xa0: {  	[sflag:s22] =	ssyncadd.s32 s3;
	_ =	sdelay $0x1  }
0xa1: {  	s23 =	simm.s32 $0x1B8B  }
0xa2: {  	_ =	swait.ge [sflag:s23], $0x1  }
0xa3: {  	[sflag:s23] =	ssyncset.done $0x0  }
0xa4: {  	s25 =	simm.s32 $0x1B8E;
	s24 =	sld [smem:$0x3FFE];
	[sflag:s23] =	ssyncadd.s32 $0xFFFFFFFF  }
0xa5: {  	s26 =	simm.s32 $execute0_lowered;
	[smem:$0x3FD2] =	sst s25  }
0xa6: {  	s4 =	sshll.u32 s26, $0x1;
	_ =	strace $0x80000049;
	[dreg:$0x1] =	wrdreg $0xFFFFFFFF  }
0xa7: {  	s28 =	simm.s32 $_size_execute0_lowered;
	s2 =	sadd.s32 s2, s4;
	[dreg:$0x0] =	wrdreg $0x0  }
0xa8: {  	s4 =	sshll.u32 s28, $0x1;
	[dreg:$0x2] =	wrdreg s2  }
0xa9: {  	[dreg:$0x3] =	wrdreg s4  }
0xaa: {  	[dreg:$0x4] =	wrdreg $0xC0  }
0xab: {  	_ =	task [dreg:s6], $0x5FFFF  }
0xac: {  	[dreg:$0x1] =	wrdreg $0xFFFFFFFF  }
0xad: {  	[dreg:$0x0] =	wrdreg $0x60  }
0xae: {  	[dreg:$0x2] =	wrdreg s24  }
0xaf: {  	[dreg:$0x3] =	wrdreg $0x9  }
0xb0: {  	_ =	task.clear_ibuf [dreg:s6], $0x4FFFF;
	_ =	strace $0x90000049  }
0xb1: {  	s29 =	simm.s32 $0x9;
	_ =	strace $0x8000004B  }
0xb2: {  	_ =	swait.ge [sflag:s29], $0x1  }
0xb3: {  	[sflag:s29] =	ssyncadd.s32 $0xFFFFFFFF  }
0xb4: {  	_ =	strace $0x9000004B  }
0xb5: {  	_ =	sfence  }
0xb6: {  	s30 =	sld [smem:$0x0];
	_ =	sdelay $0x2  }
0xb7: {  	s31 =	sshll.u32 s1, $0xD;
	s1 =	sshrl.u32 s1, $0x2  }
0xb8: {  	s3 =	sand.u32 $0x4000, s31;
	s1 =	sadd.s32 s1, s30  }
0xb9: {  	s0 =	sor.u32 s3, s0;
	s1 =	sshll.u32 s1, $0x11  }
0xba: {  	s0 =	sor.u32 s1, s0  }
0xbb: {  	s0 =	sadd.s32 $0x8F2B, s0  }
0xbc: {  	[sflag:s0] =	ssyncadd.remote.s32 $0x1  }
0xbd: {  	_ =	sfence.sel $0xFFFF  }
0xbe: {  	[dreg:$0x0] =	wrdreg $0xFFFFFFFF;
	(pc) =	sbr.abs _section_cstart, $3  }
0xbf: {  	[dreg:$0x1] =	wrdreg $0xFFFFFFFF  }
0xc0: {  	_ =	task.clear_ibuf [dreg:s6], $0x2FFFF;
	_ =	strace $0x9FFFFFFF  }
0xc1: {  	(tm) =	ssettm $0x7FFFFFFF  }
tec
execute0_lowered:
.L_overlay_start_1:
0x0: {  	(tag) =	ssettag $0x1  }
0x1: {  	s1 =	srdreg.scid;
	s0 =	stileid.u32  }
0x2: {  	s5 =	rddreg [dreg:$0x0];
	s2 =	simm.s32 $0x0;
	s8 =	simm.s32 $0x80  }
0x3: {  	s9 =	simm.s32 $0x1;
	s4 =	sand.u32 $0x1, s1;
	s30 =	sshll.u32 s0, $0x1  }
0x4: {  	s10 =	simm.s32 $0x3400;
	s1 =	rddreg [dreg:$0x1];
	s3 =	sor.u32 s4, s30  }
0x5: {  	s11 =	simm.s32 $0x0;
	[smem:$0x7FF] =	sst s2;
	s6 =	smul.u32 $0x680, s3  }
0x6: {  	_ =	strace $0x8000004A;
	s4 =	ssub.s32 $0x2, s4;
	s7 =	smul.u32 $0x3400, s3  }
0x7: {  	s3 =	sadd.s32 $0x1600, s5;
	s31 =	sshrl.u32 s4, $0x1;
	s6 =	sadd.s32 s6, s5  }
0x8: {  	s5 =	sadd.s32 s7, s5;
	s7 =	ssub.s32 s4, s31;
	s4 =	sadd.s32 $0x27CC00, s6  }
0x9: {  	s5 =	sadd.s32 $0x289C00, s5;
	s6 =	smax.u32 s7, $0x1;
	s7 =	simm.s32 $0x2  }
.LBB2_1:
0xa: {  	[tilespmem:s2], [sflag:$0x2] =	stream.linear.gather [hbm4b:s4+s2], $0x3400, $0x38;
	[tilespmem:$0x1D400] =	vst v63  }
0xb: {  	_ =	swait.ge [sflag:s7], $0x3400  }
0xc: {  	[sflag:s7] =	ssyncset.done $0x0  }
0xd: {  	s12 =	simm.s32 $0x3400;
	s13 =	simm.s32 $0x0;
	[sflag:s7] =	ssyncadd.s32 $0xFFFFCC00  }
.LBB2_2:
0xe: {  	p0 =	sne.s32 s13, $0xCE00  }
.Ltmp0:
0xf: {  	_ = 	snop;
	(pc) =	sbr.rel @p0 .LBB2_2-.Ltmp0, $4  }
0x10: {  	_ = 	snop  }
0x11: {  	s14 =	sshra.s32 s13, $0x2  }
0x12: {  	[tilespmem:s12], [sflag:$0x1] =	stream.indirect.gather [hbm4b:s3+s8], $0x8, s14, s8, $0xb8;
	[tilespmem:$0x1D400] =	vst v63  }
0x13: {  	s13 =	sadd.s32 $0x200, s13;
	s12 =	sadd.s32 $0x400, s12  }
0x14: {  	_ =	swait.ge [sflag:s9], $0x400  }
0x15: {  	s12 =	simm.s32 $0x67;
	[sflag:s9] =	ssyncset.done $0x0  }
.LBB2_4:
0x16: {  	p0 =	sne.s32 s12, $0x1;
	s12 =	sadd.s32 $0xFFFFFFFF, s12;
	[sflag:s9] =	ssyncadd.s32 $0xFFFFFC00  }
.Ltmp1:
0x17: {  	(pc) =	sbr.rel @p0 .LBB2_4-.Ltmp1, $3  }
0x18: {  	_ =	sdelay $0x1  }
0x19: {  	_ =	swait.ge [sflag:s9], $0x400  }
0x1a: {  	[sflag:s9] =	ssyncset.done $0x0  }
0x1b: {  	s11 =	sadd.s32 $0x1, s11  }
0x1c: {  	p0 =	sne.s32 s11, s6  }
.Ltmp2:
0x1d: {  	[sflag:s9] =	ssyncadd.s32 $0xFFFFFC00;
	(pc) =	sbr.rel @p0 .LBB2_1-.Ltmp2, $4  }
0x1e: {  	[hbm4b:s5+s2] =	stream.linear.scatter [tilespmem:s10], [sflag:$0x2], $0x1A000, $0x38;
	[tilespmem:$0x1D400] =	vst v63  }
0x1f: {  	_ =	swait.ge [sflag:s7], $0x1A000  }
0x20: {  	[sflag:s7] =	ssyncset.done $0x0  }
0x21: {  	[sflag:s7] =	ssyncadd.s32 $0xFFFE6000  }
0x22: {  	_ =	sfence.sel $0x180000  }
0x23: {  	[bflag:$0x0] =	sbarrier.arrive $0xFFFF  }
0x24: {  	p0 =	sne.s32 s0, $0x0;
	_ =	strace $0x9000004A  }
0x25: {  	s0 =	sadd.s32 @!p0 $0x100000, s1;
	[bflag:$0x2] =	sbarrier.arrive $0xFFFF  }
0x26: {  	[sflag:s0] =	ssyncadd.tile.s32 @!p0 $0x1;
	_ =	shalt  }
.Lfunc_end2:
_tile_overlayer_lowered:
.L_overlay_start_2:
0x27: {  	(tag) =	ssettag $0x2  }
0x28: {  	s0 =	rddreg [dreg:$0x0];
	s2 =	stileid.u32  }
0x29: {  	s1 =	rddreg [dreg:$0x1];
	p0 =	sne.s32 s2, $0x0  }
0x2a: {  	s3 =	rddreg [dreg:$0x2];
	[bflag:$0x3] =	sbarrier.arrive $0xFFFF;
	s2 =	simm.s32 @!p0 $0x1C02  }
0x2b: {  	[timem:s3], [sflag:s2] =	dma.local @!p0 [hbm:s0], s1  }
0x2c: {  	s0 =	simm.s32 @!p0 $0x2  }
0x2d: {  	_ =	swait.ge @!p0 [sflag:s0], s1  }
0x2e: {  	s1 =	ssub.s32 @!p0 $0x0, s1;
	[sflag:s0] =	ssyncset.done @!p0 $0x0  }
0x2f: {  	[sflag:s0] =	ssyncadd.s32 @!p0 s1  }
0x30: {  	[bflag:$0x3] =	sbarrier.arrive $0xFFFF  }
0x31: {  	_ =	shalt  }

</sc_bundles>
